<compile_context>
chip_gen: v7x
topology: tpu7x:2x2x1
jax: 0.10.2.dev20260603
libtpu: 0.0.44.dev20260713+nightly
codegen_flags: <defaults>
</compile_context>

<pallas_src>
import functools

import jax
import jax.numpy as jnp
from jax import lax
from jax.experimental import pallas as pl
from jax.experimental.pallas import tpu as pltpu
from jax.experimental.pallas import tpu_sc as plsc

N = 10000
E = 160000
D = 256
DH = 128
DO = 128

NC = 2
NS = 16
LANES = 16

CH = 128
T = 80
EPS = NS * CH * T
NACC = 10240
STRIPE = NACC // NS

_mesh = functools.partial(
    plsc.VectorSubcoreMesh, core_axis_name="c", subcore_axis_name="s",
    num_cores=NC, num_subcores=NS)



def _deg_body(edges_hbm, out_hbm, idx_v, ones_v, zeros_v, hist):
    cid = lax.axis_index("c")
    sid = lax.axis_index("s")

    def fill(i, _):
        ones_v[pl.ds(i * LANES, LANES)] = jnp.ones((LANES,), jnp.float32)
        return _
    lax.fori_loop(0, CH // LANES, fill, None)

    def zfill(i, _):
        zeros_v[pl.ds(i * LANES, LANES)] = jnp.zeros((LANES,), jnp.float32)
        return _
    lax.fori_loop(0, STRIPE // LANES, zfill, None)

    pltpu.sync_copy(zeros_v, hist.at[pl.ds(sid * STRIPE, STRIPE)])
    plsc.subcore_barrier()

    def chunk(t, _):
        base = sid * (CH * T) + t * CH
        pltpu.sync_copy(edges_hbm.at[cid, pl.ds(base, CH)], idx_v)
        pltpu.sync_copy(ones_v, hist.at[idx_v], add=True)
        return _
    lax.fori_loop(0, T, chunk, None)

    plsc.subcore_barrier()
    pltpu.sync_copy(hist.at[pl.ds(sid * STRIPE, STRIPE)],
                    out_hbm.at[cid, pl.ds(sid * STRIPE, STRIPE)])


def _sc_degrees(edges):
    k = pl.kernel(
        _deg_body,
        out_type=jax.ShapeDtypeStruct((NC, NACC), jnp.float32),
        mesh=_mesh(),
        scratch_types=[
            pltpu.VMEM((CH,), jnp.int32),
            pltpu.VMEM((CH,), jnp.float32),
            pltpu.VMEM((STRIPE,), jnp.float32),
            pltpu.VMEM_SHARED((NACC,), jnp.float32),
        ],
    )
    return k(edges)


def _agg_body(x_hbm, src_hbm, dst_hbm, zeros_hbm, out_hbm,
              sidx0, didx0, sidx1, didx1, rows0, rows1, acc, sem0, sem1):
    cid = lax.axis_index("c")
    sid = lax.axis_index("s")

    pltpu.sync_copy(zeros_hbm, acc.at[pl.ds(sid * STRIPE, STRIPE)])
    plsc.subcore_barrier()

    sidx = (sidx0, sidx1)
    didx = (didx0, didx1)
    rows = (rows0, rows1)
    sem = (sem0, sem1)
    ebase = sid * (CH * T)

    pltpu.sync_copy(src_hbm.at[pl.ds(ebase, CH)], sidx0)
    pltpu.sync_copy(dst_hbm.at[pl.ds(ebase, CH)], didx0)
    pltpu.async_copy(x_hbm.at[cid].at[sidx0], rows0, sem0)

    def pair(g, _):
        for b in range(2):
            t = 2 * g + b
            nb = 1 - b

            @pl.when(t + 1 < T)
            def _prefetch():
                base = ebase + (t + 1) * CH
                pltpu.sync_copy(src_hbm.at[pl.ds(base, CH)], sidx[nb])
                pltpu.sync_copy(dst_hbm.at[pl.ds(base, CH)], didx[nb])
                pltpu.async_copy(x_hbm.at[cid].at[sidx[nb]], rows[nb], sem[nb])

            pltpu.make_async_copy(x_hbm.at[cid].at[sidx[b]], rows[b],
                                  sem[b]).wait()
            pltpu.sync_copy(rows[b], acc.at[didx[b]], add=True)
        return _
    lax.fori_loop(0, T // 2, pair, None)

    plsc.subcore_barrier()
    pltpu.sync_copy(acc.at[pl.ds(sid * STRIPE, STRIPE)],
                    out_hbm.at[cid, pl.ds(sid * STRIPE, STRIPE)])


def _sc_aggregate(x_split, src_pad, dst_pad, zeros_hbm):
    k = pl.kernel(
        _agg_body,
        out_type=jax.ShapeDtypeStruct((NC, NACC, DH), jnp.float32),
        mesh=_mesh(),
        scratch_types=[
            pltpu.VMEM((CH,), jnp.int32),
            pltpu.VMEM((CH,), jnp.int32),
            pltpu.VMEM((CH,), jnp.int32),
            pltpu.VMEM((CH,), jnp.int32),
            pltpu.VMEM((CH, DH), jnp.float32),
            pltpu.VMEM((CH, DH), jnp.float32),
            pltpu.VMEM_SHARED((NACC, DH), jnp.float32),
            pltpu.SemaphoreType.DMA,
            pltpu.SemaphoreType.DMA,
        ],
    )
    return k(x_split, src_pad, dst_pad, zeros_hbm)



BR = 1000
GRID = N // BR


def _scale_body(feat_ref, odeg_ref, out_ref):
    ns = lax.rsqrt(jnp.maximum(odeg_ref[...], 1.0))
    x = feat_ref[...] * ns
    out_ref[0] = x[:, :DH]
    out_ref[1] = x[:, DH:]


def _tc_scale(feat, odeg):
    return pl.pallas_call(
        _scale_body,
        grid=(GRID,),
        in_specs=[
            pl.BlockSpec((BR, D), lambda i: (i, 0)),
            pl.BlockSpec((BR, 1), lambda i: (i, 0)),
        ],
        out_specs=pl.BlockSpec((NC, BR, DH), lambda i: (0, i, 0)),
        out_shape=jax.ShapeDtypeStruct((NC, N, DH), jnp.float32),
    )(feat, odeg)


def _layer1_body(a_ref, w_ref, b_ref, odeg_ref, ideg_ref, out_ref):
    acc = (jnp.dot(a_ref[0], w_ref[:DH, :], preferred_element_type=jnp.float32)
           + jnp.dot(a_ref[1], w_ref[DH:, :], preferred_element_type=jnp.float32))
    nd = lax.rsqrt(jnp.maximum(ideg_ref[...], 1.0))
    h = jnp.maximum(acc * nd + b_ref[...], 0.0)
    ns = lax.rsqrt(jnp.maximum(odeg_ref[...], 1.0))
    x2 = h * ns
    out_ref[0] = x2[:, :DH]
    out_ref[1] = x2[:, DH:]


def _tc_layer1(a1, w1, b1, odeg, ideg):
    return pl.pallas_call(
        _layer1_body,
        grid=(GRID,),
        in_specs=[
            pl.BlockSpec((NC, BR, DH), lambda i: (0, i, 0)),
            pl.BlockSpec((D, D), lambda i: (0, 0)),
            pl.BlockSpec((1, D), lambda i: (0, 0)),
            pl.BlockSpec((BR, 1), lambda i: (i, 0)),
            pl.BlockSpec((BR, 1), lambda i: (i, 0)),
        ],
        out_specs=pl.BlockSpec((NC, BR, DH), lambda i: (0, i, 0)),
        out_shape=jax.ShapeDtypeStruct((NC, N, DH), jnp.float32),
    )(a1, w1, b1, odeg, ideg)


def _head_body(a_ref, w2_ref, b2_ref, w3_ref, b3_ref, ideg_ref, noise_ref,
               out_ref):
    a0 = a_ref[0]
    a1 = a_ref[1]
    mu = (jnp.dot(a0, w2_ref[:DH, :], preferred_element_type=jnp.float32)
          + jnp.dot(a1, w2_ref[DH:, :], preferred_element_type=jnp.float32))
    ls = (jnp.dot(a0, w3_ref[:DH, :], preferred_element_type=jnp.float32)
          + jnp.dot(a1, w3_ref[DH:, :], preferred_element_type=jnp.float32))
    nd = lax.rsqrt(jnp.maximum(ideg_ref[...], 1.0))
    mu = mu * nd + b2_ref[...]
    ls = ls * nd + b3_ref[...]
    out_ref[...] = mu + noise_ref[...] * jnp.exp(ls)


def _tc_head(a2, w2, b2, w3, b3, ideg, noise):
    return pl.pallas_call(
        _head_body,
        grid=(GRID,),
        in_specs=[
            pl.BlockSpec((NC, BR, DH), lambda i: (0, i, 0)),
            pl.BlockSpec((D, DO), lambda i: (0, 0)),
            pl.BlockSpec((1, DO), lambda i: (0, 0)),
            pl.BlockSpec((D, DO), lambda i: (0, 0)),
            pl.BlockSpec((1, DO), lambda i: (0, 0)),
            pl.BlockSpec((BR, 1), lambda i: (i, 0)),
            pl.BlockSpec((BR, DO), lambda i: (i, 0)),
        ],
        out_specs=pl.BlockSpec((BR, DO), lambda i: (i, 0)),
        out_shape=jax.ShapeDtypeStruct((N, DO), jnp.float32),
    )(a2, w2, b2, w3, b3, ideg, noise)



@jax.jit
def kernel(feat, edge_index, W1, b1, W2, b2, W3, b3, noise):
    src = edge_index[0]
    dst = edge_index[1]
    pad = EPS - E
    sentinel = jnp.full((pad,), N, jnp.int32)
    src_gather = jnp.concatenate([src, jnp.zeros((pad,), jnp.int32)])
    dst_pad = jnp.concatenate([dst, sentinel])
    edges_deg = jnp.stack([jnp.concatenate([src, sentinel]), dst_pad])
    zeros_hbm = jnp.zeros((STRIPE, DH), jnp.float32)

    degs = _sc_degrees(edges_deg)
    odeg = degs[0, :N].reshape(N, 1)
    ideg = degs[1, :N].reshape(N, 1)

    x1 = _tc_scale(feat, odeg)
    a1 = _sc_aggregate(x1, src_gather, dst_pad, zeros_hbm)
    x2 = _tc_layer1(a1, W1, b1.reshape(1, D), odeg, ideg)
    a2 = _sc_aggregate(x2, src_gather, dst_pad, zeros_hbm)
    return _tc_head(a2, W2, b2.reshape(1, DO), W3, b3.reshape(1, DO),
                    ideg, noise)

# --- scband reference (transcript-rebuilt; emitter-appended) ---
"""Pipeline reference for scband-encoder-24859270709921 (READ-ONLY COPY).

The authoritative reference and input builder live on the scoring server;
editing this copy changes nothing except your own understanding.
"""

import jax, jax.numpy as jnp
import numpy as np

N = 10000
E = 160000
D_IN = 256
D_H = 256
D_OUT = 128


def setup_inputs(seed: int = 0) -> dict:
    key = jax.random.key(seed)
    ks = jax.random.split(key, 10)
    feat = jax.random.normal(ks[0], (N, D_IN), dtype=jnp.float32)
    edge_index = jax.random.randint(ks[1], (2, E), 0, N, dtype=jnp.int32)
    W1 = jax.random.normal(ks[2], (D_IN, D_H), dtype=jnp.float32) * (1.0 / np.sqrt(D_IN))
    b1 = jnp.zeros((D_H,), dtype=jnp.float32)
    W2 = jax.random.normal(ks[3], (D_H, D_OUT), dtype=jnp.float32) * (1.0 / np.sqrt(D_H))
    b2 = jnp.zeros((D_OUT,), dtype=jnp.float32)
    W3 = jax.random.normal(ks[4], (D_H, D_OUT), dtype=jnp.float32) * (1.0 / np.sqrt(D_H))
    b3 = jnp.zeros((D_OUT,), dtype=jnp.float32)
    noise = jax.random.normal(ks[5], (N, D_OUT), dtype=jnp.float32)
    return {"feat": feat, "edge_index": edge_index, "W1": W1, "b1": b1,
            "W2": W2, "b2": b2, "W3": W3, "b3": b3, "noise": noise}


def _gcn(feat, src, dst, W, b):
    # DGL GraphConv with norm='both': D_dst^{-1/2} A D_src^{-1/2} X W + b
    ones = jnp.ones(src.shape[0], dtype=feat.dtype)
    out_deg = jax.ops.segment_sum(ones, src, num_segments=N)
    in_deg = jax.ops.segment_sum(ones, dst, num_segments=N)
    norm_src = jnp.power(jnp.clip(out_deg, 1.0, None), -0.5)
    norm_dst = jnp.power(jnp.clip(in_deg, 1.0, None), -0.5)
    h = feat * norm_src[:, None]
    h = h @ W
    agg = jax.ops.segment_sum(h[src], dst, num_segments=N)
    return agg * norm_dst[:, None] + b


def reference(feat, edge_index, W1, b1, W2, b2, W3, b3, noise):
    src = edge_index[0]
    dst = edge_index[1]
    h = jax.nn.relu(_gcn(feat, src, dst, W1, b1))
    mu = _gcn(h, src, dst, W2, b2)
    log_sigma = _gcn(h, src, dst, W3, b3)
    # sample_latent: mu + noise * exp(log_sigma)
    return mu + noise * jnp.exp(log_sigma)

if __name__ == "__main__":
    import jax
    _d = setup_inputs()
    print(jax.jit(kernel)(*tuple(_d.values())))

</pallas_src>

<mosaic_0001>
#map = affine_map<(d0, d1) -> (0, 0, 0)>
#map1 = affine_map<(d0, d1) -> (0)>
#map2 = affine_map<(d0, d1) -> (0, 0)>
module attributes {stable_mosaic.version = 14 : i64} {
  func.func @_agg_body(%arg0: i32, %arg1: i32, %arg2: memref<2x10000x128xf32, #tpu.memory_space<hbm>>, %arg3: memref<163840xi32, #tpu.memory_space<hbm>>, %arg4: memref<163840xi32, #tpu.memory_space<hbm>>, %arg5: memref<640x128xf32, #tpu.memory_space<hbm>>, %arg6: memref<2x10240x128xf32, #tpu.memory_space<hbm>>, %arg7: memref<128xi32, #tpu.memory_space<vmem>>, %arg8: memref<128xi32, #tpu.memory_space<vmem>>, %arg9: memref<128xi32, #tpu.memory_space<vmem>>, %arg10: memref<128xi32, #tpu.memory_space<vmem>>, %arg11: memref<128x128xf32, #tpu.memory_space<vmem>>, %arg12: memref<128x128xf32, #tpu.memory_space<vmem>>, %arg13: memref<10240x128xf32, #tpu.memory_space<vmem_shared>>, %arg14: memref<!tpu.dma_semaphore, #tpu.memory_space<semaphore_mem>>, %arg15: memref<!tpu.dma_semaphore, #tpu.memory_space<semaphore_mem>>) attributes {dimension_semantics = [#tpu.dimension_semantics<core_parallel>, #tpu.dimension_semantics<subcore_parallel>], iteration_bounds = array<i64: 2, 16>, scalar_prefetch = 0 : i64, scratch_operands = 9 : i64, tpu.core_type = #tpu.core_type<sc_vector_subcore>, window_params = [{transform_indices = #map}, {transform_indices = #map1}, {transform_indices = #map1}, {transform_indices = #map2}, {transform_indices = #map}]} {
    %mul3A = arith.constant 640 : i32
    %mul3A_0 = arith.muli %arg1, %mul3A : i32
    "tpu.region"() ({
      %run_scoped3A = tpu.sem_alloc : memref<!tpu.dma_semaphore, #tpu.memory_space<semaphore_mem>>
      %dma_start3A_18 = arith.constant 0 : i32
      %dma_start3A_19 = tpu.memref_slice %arg13[%mul3A_0, %dma_start3A_18] : memref<10240x128xf32, #tpu.memory_space<vmem_shared>> -> memref<640x128xf32, #tpu.memory_space<vmem_shared>>
      tpu.enqueue_dma source(%arg5 : memref<640x128xf32, #tpu.memory_space<hbm>>) target(%dma_start3A_19 : memref<640x128xf32, #tpu.memory_space<vmem_shared>>) target_semaphore(%run_scoped3A : memref<!tpu.dma_semaphore, #tpu.memory_space<semaphore_mem>>)
      %dma_wait3A = arith.constant 0 : i32
      %dma_wait3A_20 = tpu.memref_slice %arg13[%mul3A_0, %dma_wait3A] : memref<10240x128xf32, #tpu.memory_space<vmem_shared>> -> memref<640x128xf32, #tpu.memory_space<vmem_shared>>
      tpu.wait_dma2 semaphore(%run_scoped3A : memref<!tpu.dma_semaphore, #tpu.memory_space<semaphore_mem>>) src(%arg5 : memref<640x128xf32, #tpu.memory_space<hbm>>) dst(%dma_wait3A_20 : memref<640x128xf32, #tpu.memory_space<vmem_shared>>)
      tpu.yield
    }) : () -> ()
    %barrier3A = arith.constant 0 : index
    tpu.barrier barrier_id(%barrier3A)
    %mul3A_1 = arith.constant 10240 : i32
    %mul3A_2 = arith.muli %arg1, %mul3A_1 : i32
    "tpu.region"() ({
      %run_scoped3A = tpu.sem_alloc : memref<!tpu.dma_semaphore, #tpu.memory_space<semaphore_mem>>
      %dma_start3A_18 = tpu.memref_slice %arg3[%mul3A_2] : memref<163840xi32, #tpu.memory_space<hbm>> -> memref<128xi32, #tpu.memory_space<hbm>>
      %dma_start3A_19 = tpu.memref_slice %arg3[%mul3A_2] : memref<163840xi32, #tpu.memory_space<hbm>> -> memref<128xi32, #tpu.memory_space<hbm>>
      tpu.enqueue_dma source(%dma_start3A_19 : memref<128xi32, #tpu.memory_space<hbm>>) target(%arg7 : memref<128xi32, #tpu.memory_space<vmem>>) target_semaphore(%run_scoped3A : memref<!tpu.dma_semaphore, #tpu.memory_space<semaphore_mem>>)
      %dma_wait3A = tpu.memref_slice %arg3[%mul3A_2] : memref<163840xi32, #tpu.memory_space<hbm>> -> memref<128xi32, #tpu.memory_space<hbm>>
      %dma_wait3A_20 = tpu.memref_slice %arg3[%mul3A_2] : memref<163840xi32, #tpu.memory_space<hbm>> -> memref<128xi32, #tpu.memory_space<hbm>>
      tpu.wait_dma2 semaphore(%run_scoped3A : memref<!tpu.dma_semaphore, #tpu.memory_space<semaphore_mem>>) src(%dma_wait3A_20 : memref<128xi32, #tpu.memory_space<hbm>>) dst(%arg7 : memref<128xi32, #tpu.memory_space<vmem>>)
      tpu.yield
    }) : () -> ()
    "tpu.region"() ({
      %run_scoped3A = tpu.sem_alloc : memref<!tpu.dma_semaphore, #tpu.memory_space<semaphore_mem>>
      %dma_start3A_18 = tpu.memref_slice %arg4[%mul3A_2] : memref<163840xi32, #tpu.memory_space<hbm>> -> memref<128xi32, #tpu.memory_space<hbm>>
      %dma_start3A_19 = tpu.memref_slice %arg4[%mul3A_2] : memref<163840xi32, #tpu.memory_space<hbm>> -> memref<128xi32, #tpu.memory_space<hbm>>
      tpu.enqueue_dma source(%dma_start3A_19 : memref<128xi32, #tpu.memory_space<hbm>>) target(%arg8 : memref<128xi32, #tpu.memory_space<vmem>>) target_semaphore(%run_scoped3A : memref<!tpu.dma_semaphore, #tpu.memory_space<semaphore_mem>>)
      %dma_wait3A = tpu.memref_slice %arg4[%mul3A_2] : memref<163840xi32, #tpu.memory_space<hbm>> -> memref<128xi32, #tpu.memory_space<hbm>>
      %dma_wait3A_20 = tpu.memref_slice %arg4[%mul3A_2] : memref<163840xi32, #tpu.memory_space<hbm>> -> memref<128xi32, #tpu.memory_space<hbm>>
      tpu.wait_dma2 semaphore(%run_scoped3A : memref<!tpu.dma_semaphore, #tpu.memory_space<semaphore_mem>>) src(%dma_wait3A_20 : memref<128xi32, #tpu.memory_space<hbm>>) dst(%arg8 : memref<128xi32, #tpu.memory_space<vmem>>)
      tpu.yield
    }) : () -> ()
    %dma_start3A = arith.constant 0 : i32
    %dma_start3A_3 = arith.constant 0 : i32
    %dma_start3A_4 = tpu.memref_slice %arg2[%arg0, %dma_start3A, %dma_start3A_3] : memref<2x10000x128xf32, #tpu.memory_space<hbm>> -> memref<1x10000x128xf32, #tpu.memory_space<hbm>>
    %dma_start3A_5 = tpu.memref_squeeze %dma_start3A_4 : memref<1x10000x128xf32, #tpu.memory_space<hbm>> -> memref<10000x128xf32, #tpu.memory_space<hbm>>
    %dma_start3A_6 = arith.constant 0 : i32
    %dma_start3A_7 = arith.constant 0 : i32
    %dma_start3A_8 = tpu.memref_slice %dma_start3A_5[%dma_start3A_6, %dma_start3A_7] : memref<10000x128xf32, #tpu.memory_space<hbm>> -> memref<10000x128xf32, #tpu.memory_space<hbm>>
    tpu.enqueue_indirect_dma source(%dma_start3A_8 : memref<10000x128xf32, #tpu.memory_space<hbm>>) target(%arg11 : memref<128x128xf32, #tpu.memory_space<vmem>>) offsets(%arg7 : memref<128xi32, #tpu.memory_space<vmem>>) semaphore(%arg14 : memref<!tpu.dma_semaphore, #tpu.memory_space<semaphore_mem>>)
    %scan3A = arith.constant 0 : i32
    %scan3A_9 = arith.constant 40 : i32
    %scan3A_10 = arith.addi %scan3A, %scan3A_9 : i32
    %scan3A_11 = arith.constant 1 : i32
    scf.for %scan3A_18 = %scan3A to %scan3A_10 step %scan3A_11  : i32 {
      %mul3A_19 = arith.constant 2 : i32
      %mul3A_20 = arith.muli %mul3A_19, %scan3A_18 : i32
      %add3A = arith.constant 0 : i32
      %add3A_21 = arith.addi %mul3A_20, %add3A : i32
      %add3A_22 = arith.constant 1 : i32
      %add3A_23 = arith.addi %add3A_21, %add3A_22 : i32
      %lt3A = arith.constant 80 : i32
      %lt3A_24 = arith.cmpi slt, %add3A_23, %lt3A : i32
      %convert_element_type3A = arith.extui %lt3A_24 : i1 to i32
      %cond3A = arith.constant 0 : i32
      %cond3A_25 = arith.cmpi ne, %convert_element_type3A, %cond3A : i32
      scf.if %cond3A_25 {
        %add3A_50 = arith.constant 1 : i32
        %add3A_51 = arith.addi %add3A_21, %add3A_50 : i32
        %mul3A_52 = arith.constant 128 : i32
        %mul3A_53 = arith.muli %add3A_51, %mul3A_52 : i32
        %add3A_54 = arith.addi %mul3A_2, %mul3A_53 : i32
        "tpu.region"() ({
          %run_scoped3A = tpu.sem_alloc : memref<!tpu.dma_semaphore, #tpu.memory_space<semaphore_mem>>
          %dma_start3A_62 = tpu.memref_slice %arg3[%add3A_54] : memref<163840xi32, #tpu.memory_space<hbm>> -> memref<128xi32, #tpu.memory_space<hbm>>
          %dma_start3A_63 = tpu.memref_slice %arg3[%add3A_54] : memref<163840xi32, #tpu.memory_space<hbm>> -> memref<128xi32, #tpu.memory_space<hbm>>
          tpu.enqueue_dma source(%dma_start3A_63 : memref<128xi32, #tpu.memory_space<hbm>>) target(%arg9 : memref<128xi32, #tpu.memory_space<vmem>>) target_semaphore(%run_scoped3A : memref<!tpu.dma_semaphore, #tpu.memory_space<semaphore_mem>>)
          %dma_wait3A_64 = tpu.memref_slice %arg3[%add3A_54] : memref<163840xi32, #tpu.memory_space<hbm>> -> memref<128xi32, #tpu.memory_space<hbm>>
          %dma_wait3A_65 = tpu.memref_slice %arg3[%add3A_54] : memref<163840xi32, #tpu.memory_space<hbm>> -> memref<128xi32, #tpu.memory_space<hbm>>
          tpu.wait_dma2 semaphore(%run_scoped3A : memref<!tpu.dma_semaphore, #tpu.memory_space<semaphore_mem>>) src(%dma_wait3A_65 : memref<128xi32, #tpu.memory_space<hbm>>) dst(%arg9 : memref<128xi32, #tpu.memory_space<vmem>>)
          tpu.yield
        }) : () -> ()
        "tpu.region"() ({
          %run_scoped3A = tpu.sem_alloc : memref<!tpu.dma_semaphore, #tpu.memory_space<semaphore_mem>>
          %dma_start3A_62 = tpu.memref_slice %arg4[%add3A_54] : memref<163840xi32, #tpu.memory_space<hbm>> -> memref<128xi32, #tpu.memory_space<hbm>>
          %dma_start3A_63 = tpu.memref_slice %arg4[%add3A_54] : memref<163840xi32, #tpu.memory_space<hbm>> -> memref<128xi32, #tpu.memory_space<hbm>>
          tpu.enqueue_dma source(%dma_start3A_63 : memref<128xi32, #tpu.memory_space<hbm>>) target(%arg10 : memref<128xi32, #tpu.memory_space<vmem>>) target_semaphore(%run_scoped3A : memref<!tpu.dma_semaphore, #tpu.memory_space<semaphore_mem>>)
          %dma_wait3A_64 = tpu.memref_slice %arg4[%add3A_54] : memref<163840xi32, #tpu.memory_space<hbm>> -> memref<128xi32, #tpu.memory_space<hbm>>
          %dma_wait3A_65 = tpu.memref_slice %arg4[%add3A_54] : memref<163840xi32, #tpu.memory_space<hbm>> -> memref<128xi32, #tpu.memory_space<hbm>>
          tpu.wait_dma2 semaphore(%run_scoped3A : memref<!tpu.dma_semaphore, #tpu.memory_space<semaphore_mem>>) src(%dma_wait3A_65 : memref<128xi32, #tpu.memory_space<hbm>>) dst(%arg10 : memref<128xi32, #tpu.memory_space<vmem>>)
          tpu.yield
        }) : () -> ()
        %dma_start3A_55 = arith.constant 0 : i32
        %dma_start3A_56 = arith.constant 0 : i32
        %dma_start3A_57 = tpu.memref_slice %arg2[%arg0, %dma_start3A_55, %dma_start3A_56] : memref<2x10000x128xf32, #tpu.memory_space<hbm>> -> memref<1x10000x128xf32, #tpu.memory_space<hbm>>
        %dma_start3A_58 = tpu.memref_squeeze %dma_start3A_57 : memref<1x10000x128xf32, #tpu.memory_space<hbm>> -> memref<10000x128xf32, #tpu.memory_space<hbm>>
        %dma_start3A_59 = arith.constant 0 : i32
        %dma_start3A_60 = arith.constant 0 : i32
        %dma_start3A_61 = tpu.memref_slice %dma_start3A_58[%dma_start3A_59, %dma_start3A_60] : memref<10000x128xf32, #tpu.memory_space<hbm>> -> memref<10000x128xf32, #tpu.memory_space<hbm>>
        tpu.enqueue_indirect_dma source(%dma_start3A_61 : memref<10000x128xf32, #tpu.memory_space<hbm>>) target(%arg12 : memref<128x128xf32, #tpu.memory_space<vmem>>) offsets(%arg9 : memref<128xi32, #tpu.memory_space<vmem>>) semaphore(%arg15 : memref<!tpu.dma_semaphore, #tpu.memory_space<semaphore_mem>>)
      } else {
      }
      %dma_wait3A = arith.constant 0 : i32
      %dma_wait3A_26 = arith.constant 0 : i32
      %dma_wait3A_27 = tpu.memref_slice %arg2[%arg0, %dma_wait3A, %dma_wait3A_26] : memref<2x10000x128xf32, #tpu.memory_space<hbm>> -> memref<1x10000x128xf32, #tpu.memory_space<hbm>>
      %dma_wait3A_28 = tpu.memref_squeeze %dma_wait3A_27 : memref<1x10000x128xf32, #tpu.memory_space<hbm>> -> memref<10000x128xf32, #tpu.memory_space<hbm>>
      %dma_wait3A_29 = arith.constant 0 : i32
      %dma_wait3A_30 = arith.constant 0 : i32
      %dma_wait3A_31 = tpu.memref_slice %dma_wait3A_28[%dma_wait3A_29, %dma_wait3A_30] : memref<10000x128xf32, #tpu.memory_space<hbm>> -> memref<10000x128xf32, #tpu.memory_space<hbm>>
      tpu.wait_indirect_dma semaphore(%arg14 : memref<!tpu.dma_semaphore, #tpu.memory_space<semaphore_mem>>) src(%dma_wait3A_31 : memref<10000x128xf32, #tpu.memory_space<hbm>>) dst(%arg11 : memref<128x128xf32, #tpu.memory_space<vmem>>)
      "tpu.region"() ({
        %run_scoped3A = tpu.sem_alloc : memref<!tpu.dma_semaphore, #tpu.memory_space<semaphore_mem>>
        %dma_start3A_50 = arith.constant 0 : i32
        %dma_start3A_51 = arith.constant 0 : i32
        %dma_start3A_52 = tpu.memref_slice %arg13[%dma_start3A_50, %dma_start3A_51] : memref<10240x128xf32, #tpu.memory_space<vmem_shared>> -> memref<10240x128xf32, #tpu.memory_space<vmem_shared>>
        tpu.enqueue_indirect_dma source(%arg11 : memref<128x128xf32, #tpu.memory_space<vmem>>) target(%dma_start3A_52 : memref<10240x128xf32, #tpu.memory_space<vmem_shared>>) offsets(%arg8 : memref<128xi32, #tpu.memory_space<vmem>>) semaphore(%run_scoped3A : memref<!tpu.dma_semaphore, #tpu.memory_space<semaphore_mem>>) {add = true}
        %dma_wait3A_53 = arith.constant 0 : i32
        %dma_wait3A_54 = arith.constant 0 : i32
        %dma_wait3A_55 = tpu.memref_slice %arg13[%dma_wait3A_53, %dma_wait3A_54] : memref<10240x128xf32, #tpu.memory_space<vmem_shared>> -> memref<10240x128xf32, #tpu.memory_space<vmem_shared>>
        tpu.wait_indirect_dma semaphore(%run_scoped3A : memref<!tpu.dma_semaphore, #tpu.memory_space<semaphore_mem>>) src(%arg11 : memref<128x128xf32, #tpu.memory_space<vmem>>) dst(%dma_wait3A_55 : memref<10240x128xf32, #tpu.memory_space<vmem_shared>>)
        tpu.yield
      }) : () -> ()
      %mul3A_32 = arith.constant 2 : i32
      %mul3A_33 = arith.muli %mul3A_32, %scan3A_18 : i32
      %add3A_34 = arith.constant 1 : i32
      %add3A_35 = arith.addi %mul3A_33, %add3A_34 : i32
      %add3A_36 = arith.constant 1 : i32
      %add3A_37 = arith.addi %add3A_35, %add3A_36 : i32
      %lt3A_38 = arith.constant 80 : i32
      %lt3A_39 = arith.cmpi slt, %add3A_37, %lt3A_38 : i32
      %convert_element_type3A_40 = arith.extui %lt3A_39 : i1 to i32
      %cond3A_41 = arith.constant 0 : i32
      %cond3A_42 = arith.cmpi ne, %convert_element_type3A_40, %cond3A_41 : i32
      scf.if %cond3A_42 {
        %add3A_50 = arith.constant 1 : i32
        %add3A_51 = arith.addi %add3A_35, %add3A_50 : i32
        %mul3A_52 = arith.constant 128 : i32
        %mul3A_53 = arith.muli %add3A_51, %mul3A_52 : i32
        %add3A_54 = arith.addi %mul3A_2, %mul3A_53 : i32
        "tpu.region"() ({
          %run_scoped3A = tpu.sem_alloc : memref<!tpu.dma_semaphore, #tpu.memory_space<semaphore_mem>>
          %dma_start3A_62 = tpu.memref_slice %arg3[%add3A_54] : memref<163840xi32, #tpu.memory_space<hbm>> -> memref<128xi32, #tpu.memory_space<hbm>>
          %dma_start3A_63 = tpu.memref_slice %arg3[%add3A_54] : memref<163840xi32, #tpu.memory_space<hbm>> -> memref<128xi32, #tpu.memory_space<hbm>>
          tpu.enqueue_dma source(%dma_start3A_63 : memref<128xi32, #tpu.memory_space<hbm>>) target(%arg7 : memref<128xi32, #tpu.memory_space<vmem>>) target_semaphore(%run_scoped3A : memref<!tpu.dma_semaphore, #tpu.memory_space<semaphore_mem>>)
          %dma_wait3A_64 = tpu.memref_slice %arg3[%add3A_54] : memref<163840xi32, #tpu.memory_space<hbm>> -> memref<128xi32, #tpu.memory_space<hbm>>
          %dma_wait3A_65 = tpu.memref_slice %arg3[%add3A_54] : memref<163840xi32, #tpu.memory_space<hbm>> -> memref<128xi32, #tpu.memory_space<hbm>>
          tpu.wait_dma2 semaphore(%run_scoped3A : memref<!tpu.dma_semaphore, #tpu.memory_space<semaphore_mem>>) src(%dma_wait3A_65 : memref<128xi32, #tpu.memory_space<hbm>>) dst(%arg7 : memref<128xi32, #tpu.memory_space<vmem>>)
          tpu.yield
        }) : () -> ()
        "tpu.region"() ({
          %run_scoped3A = tpu.sem_alloc : memref<!tpu.dma_semaphore, #tpu.memory_space<semaphore_mem>>
          %dma_start3A_62 = tpu.memref_slice %arg4[%add3A_54] : memref<163840xi32, #tpu.memory_space<hbm>> -> memref<128xi32, #tpu.memory_space<hbm>>
          %dma_start3A_63 = tpu.memref_slice %arg4[%add3A_54] : memref<163840xi32, #tpu.memory_space<hbm>> -> memref<128xi32, #tpu.memory_space<hbm>>
          tpu.enqueue_dma source(%dma_start3A_63 : memref<128xi32, #tpu.memory_space<hbm>>) target(%arg8 : memref<128xi32, #tpu.memory_space<vmem>>) target_semaphore(%run_scoped3A : memref<!tpu.dma_semaphore, #tpu.memory_space<semaphore_mem>>)
          %dma_wait3A_64 = tpu.memref_slice %arg4[%add3A_54] : memref<163840xi32, #tpu.memory_space<hbm>> -> memref<128xi32, #tpu.memory_space<hbm>>
          %dma_wait3A_65 = tpu.memref_slice %arg4[%add3A_54] : memref<163840xi32, #tpu.memory_space<hbm>> -> memref<128xi32, #tpu.memory_space<hbm>>
          tpu.wait_dma2 semaphore(%run_scoped3A : memref<!tpu.dma_semaphore, #tpu.memory_space<semaphore_mem>>) src(%dma_wait3A_65 : memref<128xi32, #tpu.memory_space<hbm>>) dst(%arg8 : memref<128xi32, #tpu.memory_space<vmem>>)
          tpu.yield
        }) : () -> ()
        %dma_start3A_55 = arith.constant 0 : i32
        %dma_start3A_56 = arith.constant 0 : i32
        %dma_start3A_57 = tpu.memref_slice %arg2[%arg0, %dma_start3A_55, %dma_start3A_56] : memref<2x10000x128xf32, #tpu.memory_space<hbm>> -> memref<1x10000x128xf32, #tpu.memory_space<hbm>>
        %dma_start3A_58 = tpu.memref_squeeze %dma_start3A_57 : memref<1x10000x128xf32, #tpu.memory_space<hbm>> -> memref<10000x128xf32, #tpu.memory_space<hbm>>
        %dma_start3A_59 = arith.constant 0 : i32
        %dma_start3A_60 = arith.constant 0 : i32
        %dma_start3A_61 = tpu.memref_slice %dma_start3A_58[%dma_start3A_59, %dma_start3A_60] : memref<10000x128xf32, #tpu.memory_space<hbm>> -> memref<10000x128xf32, #tpu.memory_space<hbm>>
        tpu.enqueue_indirect_dma source(%dma_start3A_61 : memref<10000x128xf32, #tpu.memory_space<hbm>>) target(%arg11 : memref<128x128xf32, #tpu.memory_space<vmem>>) offsets(%arg7 : memref<128xi32, #tpu.memory_space<vmem>>) semaphore(%arg14 : memref<!tpu.dma_semaphore, #tpu.memory_space<semaphore_mem>>)
      } else {
      }
      %dma_wait3A_43 = arith.constant 0 : i32
      %dma_wait3A_44 = arith.constant 0 : i32
      %dma_wait3A_45 = tpu.memref_slice %arg2[%arg0, %dma_wait3A_43, %dma_wait3A_44] : memref<2x10000x128xf32, #tpu.memory_space<hbm>> -> memref<1x10000x128xf32, #tpu.memory_space<hbm>>
      %dma_wait3A_46 = tpu.memref_squeeze %dma_wait3A_45 : memref<1x10000x128xf32, #tpu.memory_space<hbm>> -> memref<10000x128xf32, #tpu.memory_space<hbm>>
      %dma_wait3A_47 = arith.constant 0 : i32
      %dma_wait3A_48 = arith.constant 0 : i32
      %dma_wait3A_49 = tpu.memref_slice %dma_wait3A_46[%dma_wait3A_47, %dma_wait3A_48] : memref<10000x128xf32, #tpu.memory_space<hbm>> -> memref<10000x128xf32, #tpu.memory_space<hbm>>
      tpu.wait_indirect_dma semaphore(%arg15 : memref<!tpu.dma_semaphore, #tpu.memory_space<semaphore_mem>>) src(%dma_wait3A_49 : memref<10000x128xf32, #tpu.memory_space<hbm>>) dst(%arg12 : memref<128x128xf32, #tpu.memory_space<vmem>>)
      "tpu.region"() ({
        %run_scoped3A = tpu.sem_alloc : memref<!tpu.dma_semaphore, #tpu.memory_space<semaphore_mem>>
        %dma_start3A_50 = arith.constant 0 : i32
        %dma_start3A_51 = arith.constant 0 : i32
        %dma_start3A_52 = tpu.memref_slice %arg13[%dma_start3A_50, %dma_start3A_51] : memref<10240x128xf32, #tpu.memory_space<vmem_shared>> -> memref<10240x128xf32, #tpu.memory_space<vmem_shared>>
        tpu.enqueue_indirect_dma source(%arg12 : memref<128x128xf32, #tpu.memory_space<vmem>>) target(%dma_start3A_52 : memref<10240x128xf32, #tpu.memory_space<vmem_shared>>) offsets(%arg10 : memref<128xi32, #tpu.memory_space<vmem>>) semaphore(%run_scoped3A : memref<!tpu.dma_semaphore, #tpu.memory_space<semaphore_mem>>) {add = true}
        %dma_wait3A_53 = arith.constant 0 : i32
        %dma_wait3A_54 = arith.constant 0 : i32
        %dma_wait3A_55 = tpu.memref_slice %arg13[%dma_wait3A_53, %dma_wait3A_54] : memref<10240x128xf32, #tpu.memory_space<vmem_shared>> -> memref<10240x128xf32, #tpu.memory_space<vmem_shared>>
        tpu.wait_indirect_dma semaphore(%run_scoped3A : memref<!tpu.dma_semaphore, #tpu.memory_space<semaphore_mem>>) src(%arg12 : memref<128x128xf32, #tpu.memory_space<vmem>>) dst(%dma_wait3A_55 : memref<10240x128xf32, #tpu.memory_space<vmem_shared>>)
        tpu.yield
      }) : () -> ()
    }
    %scan3A_12 = arith.constant 40 : i32
    %barrier3A_13 = arith.constant 0 : index
    tpu.barrier barrier_id(%barrier3A_13)
    %mul3A_14 = arith.constant 640 : i32
    %mul3A_15 = arith.muli %arg1, %mul3A_14 : i32
    %mul3A_16 = arith.constant 640 : i32
    %mul3A_17 = arith.muli %arg1, %mul3A_16 : i32
    "tpu.region"() ({
      %run_scoped3A = tpu.sem_alloc : memref<!tpu.dma_semaphore, #tpu.memory_space<semaphore_mem>>
      %dma_start3A_18 = arith.constant 0 : i32
      %dma_start3A_19 = tpu.memref_slice %arg6[%arg0, %mul3A_17, %dma_start3A_18] : memref<2x10240x128xf32, #tpu.memory_space<hbm>> -> memref<1x640x128xf32, #tpu.memory_space<hbm>>
      %dma_start3A_20 = tpu.memref_squeeze %dma_start3A_19 : memref<1x640x128xf32, #tpu.memory_space<hbm>> -> memref<640x128xf32, #tpu.memory_space<hbm>>
      %dma_start3A_21 = arith.constant 0 : i32
      %dma_start3A_22 = tpu.memref_slice %arg13[%mul3A_15, %dma_start3A_21] : memref<10240x128xf32, #tpu.memory_space<vmem_shared>> -> memref<640x128xf32, #tpu.memory_space<vmem_shared>>
      tpu.enqueue_dma source(%dma_start3A_22 : memref<640x128xf32, #tpu.memory_space<vmem_shared>>) target(%dma_start3A_20 : memref<640x128xf32, #tpu.memory_space<hbm>>) target_semaphore(%run_scoped3A : memref<!tpu.dma_semaphore, #tpu.memory_space<semaphore_mem>>)
      %dma_wait3A = arith.constant 0 : i32
      %dma_wait3A_23 = tpu.memref_slice %arg6[%arg0, %mul3A_17, %dma_wait3A] : memref<2x10240x128xf32, #tpu.memory_space<hbm>> -> memref<1x640x128xf32, #tpu.memory_space<hbm>>
      %dma_wait3A_24 = tpu.memref_squeeze %dma_wait3A_23 : memref<1x640x128xf32, #tpu.memory_space<hbm>> -> memref<640x128xf32, #tpu.memory_space<hbm>>
      %dma_wait3A_25 = arith.constant 0 : i32
      %dma_wait3A_26 = tpu.memref_slice %arg13[%mul3A_15, %dma_wait3A_25] : memref<10240x128xf32, #tpu.memory_space<vmem_shared>> -> memref<640x128xf32, #tpu.memory_space<vmem_shared>>
      tpu.wait_dma2 semaphore(%run_scoped3A : memref<!tpu.dma_semaphore, #tpu.memory_space<semaphore_mem>>) src(%dma_wait3A_26 : memref<640x128xf32, #tpu.memory_space<vmem_shared>>) dst(%dma_wait3A_24 : memref<640x128xf32, #tpu.memory_space<hbm>>)
      tpu.yield
    }) : () -> ()
    return
  }
}

#map = affine_map<(d0, d1) -> (0, 0)>
module attributes {stable_mosaic.version = 14 : i64} {
  func.func @_deg_body(%arg0: i32, %arg1: i32, %arg2: memref<2x163840xi32, #tpu.memory_space<hbm>>, %arg3: memref<2x10240xf32, #tpu.memory_space<hbm>>, %arg4: memref<128xi32, #tpu.memory_space<vmem>>, %arg5: memref<128xf32, #tpu.memory_space<vmem>>, %arg6: memref<640xf32, #tpu.memory_space<vmem>>, %arg7: memref<10240xf32, #tpu.memory_space<vmem_shared>>) attributes {dimension_semantics = [#tpu.dimension_semantics<core_parallel>, #tpu.dimension_semantics<subcore_parallel>], iteration_bounds = array<i64: 2, 16>, scalar_prefetch = 0 : i64, scratch_operands = 4 : i64, tpu.core_type = #tpu.core_type<sc_vector_subcore>, window_params = [{transform_indices = #map}, {transform_indices = #map}]} {
    %scan3A = arith.constant 0 : i32
    %scan3A_0 = arith.constant 8 : i32
    %scan3A_1 = arith.addi %scan3A, %scan3A_0 : i32
    %scan3A_2 = arith.constant 1 : i32
    scf.for %scan3A_20 = %scan3A to %scan3A_1 step %scan3A_2  : i32 {
      %broadcast_in_dim3A = arith.constant 1.000000e+00 : f32
      %broadcast_in_dim3A_21 = vector.broadcast %broadcast_in_dim3A : f32 to vector<16xf32>
      %mul3A_22 = arith.constant 16 : i32
      %mul3A_23 = arith.muli %scan3A_20, %mul3A_22 : i32
      %swap3A = arith.index_cast %mul3A_23 : i32 to index
      %swap3A_24 = tpu.vector_load %arg5[%swap3A] {strides = array<i32>} : memref<128xf32, #tpu.memory_space<vmem>>, vector<16xf32>,
      %swap3A_25 = vector.shape_cast %swap3A_24 : vector<16xf32> to vector<16xf32>
      %swap3A_26 = vector.shape_cast %broadcast_in_dim3A_21 : vector<16xf32> to vector<16xf32>
      tpu.vector_store %arg5[%swap3A], %swap3A_26 {strides = array<i32>} : memref<128xf32, #tpu.memory_space<vmem>>, vector<16xf32>,
    }
    %scan3A_3 = arith.constant 8 : i32
    %scan3A_4 = arith.constant 0 : i32
    %scan3A_5 = arith.constant 40 : i32
    %scan3A_6 = arith.addi %scan3A_4, %scan3A_5 : i32
    %scan3A_7 = arith.constant 1 : i32
    scf.for %scan3A_20 = %scan3A_4 to %scan3A_6 step %scan3A_7  : i32 {
      %broadcast_in_dim3A = arith.constant 0.000000e+00 : f32
      %broadcast_in_dim3A_21 = vector.broadcast %broadcast_in_dim3A : f32 to vector<16xf32>
      %mul3A_22 = arith.constant 16 : i32
      %mul3A_23 = arith.muli %scan3A_20, %mul3A_22 : i32
      %swap3A = arith.index_cast %mul3A_23 : i32 to index
      %swap3A_24 = tpu.vector_load %arg6[%swap3A] {strides = array<i32>} : memref<640xf32, #tpu.memory_space<vmem>>, vector<16xf32>,
      %swap3A_25 = vector.shape_cast %swap3A_24 : vector<16xf32> to vector<16xf32>
      %swap3A_26 = vector.shape_cast %broadcast_in_dim3A_21 : vector<16xf32> to vector<16xf32>
      tpu.vector_store %arg6[%swap3A], %swap3A_26 {strides = array<i32>} : memref<640xf32, #tpu.memory_space<vmem>>, vector<16xf32>,
    }
    %scan3A_8 = arith.constant 40 : i32
    %mul3A = arith.constant 640 : i32
    %mul3A_9 = arith.muli %arg1, %mul3A : i32
    "tpu.region"() ({
      %run_scoped3A = tpu.sem_alloc : memref<!tpu.dma_semaphore, #tpu.memory_space<semaphore_mem>>
      %dma_start3A = tpu.memref_slice %arg7[%mul3A_9] : memref<10240xf32, #tpu.memory_space<vmem_shared>> -> memref<640xf32, #tpu.memory_space<vmem_shared>>
      %dma_start3A_20 = tpu.memref_slice %arg7[%mul3A_9] : memref<10240xf32, #tpu.memory_space<vmem_shared>> -> memref<640xf32, #tpu.memory_space<vmem_shared>>
      tpu.enqueue_dma source(%arg6 : memref<640xf32, #tpu.memory_space<vmem>>) target(%dma_start3A_20 : memref<640xf32, #tpu.memory_space<vmem_shared>>) target_semaphore(%run_scoped3A : memref<!tpu.dma_semaphore, #tpu.memory_space<semaphore_mem>>)
      %dma_wait3A = tpu.memref_slice %arg7[%mul3A_9] : memref<10240xf32, #tpu.memory_space<vmem_shared>> -> memref<640xf32, #tpu.memory_space<vmem_shared>>
      %dma_wait3A_21 = tpu.memref_slice %arg7[%mul3A_9] : memref<10240xf32, #tpu.memory_space<vmem_shared>> -> memref<640xf32, #tpu.memory_space<vmem_shared>>
      tpu.wait_dma2 semaphore(%run_scoped3A : memref<!tpu.dma_semaphore, #tpu.memory_space<semaphore_mem>>) src(%arg6 : memref<640xf32, #tpu.memory_space<vmem>>) dst(%dma_wait3A_21 : memref<640xf32, #tpu.memory_space<vmem_shared>>)
      tpu.yield
    }) : () -> ()
    %barrier3A = arith.constant 0 : index
    tpu.barrier barrier_id(%barrier3A)
    %scan3A_10 = arith.constant 0 : i32
    %scan3A_11 = arith.constant 80 : i32
    %scan3A_12 = arith.addi %scan3A_10, %scan3A_11 : i32
    %scan3A_13 = arith.constant 1 : i32
    scf.for %scan3A_20 = %scan3A_10 to %scan3A_12 step %scan3A_13  : i32 {
      %mul3A_21 = arith.constant 10240 : i32
      %mul3A_22 = arith.muli %arg1, %mul3A_21 : i32
      %mul3A_23 = arith.constant 128 : i32
      %mul3A_24 = arith.muli %scan3A_20, %mul3A_23 : i32
      %add3A = arith.addi %mul3A_22, %mul3A_24 : i32
      "tpu.region"() ({
        %run_scoped3A = tpu.sem_alloc : memref<!tpu.dma_semaphore, #tpu.memory_space<semaphore_mem>>
        %dma_start3A = tpu.memref_slice %arg2[%arg0, %add3A] : memref<2x163840xi32, #tpu.memory_space<hbm>> -> memref<1x128xi32, #tpu.memory_space<hbm>>
        %dma_start3A_25 = tpu.memref_squeeze %dma_start3A : memref<1x128xi32, #tpu.memory_space<hbm>> -> memref<128xi32, #tpu.memory_space<hbm>>
        %dma_start3A_26 = tpu.memref_slice %arg2[%arg0, %add3A] : memref<2x163840xi32, #tpu.memory_space<hbm>> -> memref<1x128xi32, #tpu.memory_space<hbm>>
        %dma_start3A_27 = tpu.memref_squeeze %dma_start3A_26 : memref<1x128xi32, #tpu.memory_space<hbm>> -> memref<128xi32, #tpu.memory_space<hbm>>
        tpu.enqueue_dma source(%dma_start3A_27 : memref<128xi32, #tpu.memory_space<hbm>>) target(%arg4 : memref<128xi32, #tpu.memory_space<vmem>>) target_semaphore(%run_scoped3A : memref<!tpu.dma_semaphore, #tpu.memory_space<semaphore_mem>>)
        %dma_wait3A = tpu.memref_slice %arg2[%arg0, %add3A] : memref<2x163840xi32, #tpu.memory_space<hbm>> -> memref<1x128xi32, #tpu.memory_space<hbm>>
        %dma_wait3A_28 = tpu.memref_squeeze %dma_wait3A : memref<1x128xi32, #tpu.memory_space<hbm>> -> memref<128xi32, #tpu.memory_space<hbm>>
        %dma_wait3A_29 = tpu.memref_slice %arg2[%arg0, %add3A] : memref<2x163840xi32, #tpu.memory_space<hbm>> -> memref<1x128xi32, #tpu.memory_space<hbm>>
        %dma_wait3A_30 = tpu.memref_squeeze %dma_wait3A_29 : memref<1x128xi32, #tpu.memory_space<hbm>> -> memref<128xi32, #tpu.memory_space<hbm>>
        tpu.wait_dma2 semaphore(%run_scoped3A : memref<!tpu.dma_semaphore, #tpu.memory_space<semaphore_mem>>) src(%dma_wait3A_30 : memref<128xi32, #tpu.memory_space<hbm>>) dst(%arg4 : memref<128xi32, #tpu.memory_space<vmem>>)
        tpu.yield
      }) : () -> ()
      "tpu.region"() ({
        %run_scoped3A = tpu.sem_alloc : memref<!tpu.dma_semaphore, #tpu.memory_space<semaphore_mem>>
        %dma_start3A = arith.constant 0 : i32
        %dma_start3A_25 = tpu.memref_slice %arg7[%dma_start3A] : memref<10240xf32, #tpu.memory_space<vmem_shared>> -> memref<10240xf32, #tpu.memory_space<vmem_shared>>
        tpu.enqueue_indirect_dma source(%arg5 : memref<128xf32, #tpu.memory_space<vmem>>) target(%dma_start3A_25 : memref<10240xf32, #tpu.memory_space<vmem_shared>>) offsets(%arg4 : memref<128xi32, #tpu.memory_space<vmem>>) semaphore(%run_scoped3A : memref<!tpu.dma_semaphore, #tpu.memory_space<semaphore_mem>>) {add = true}
        %dma_wait3A = arith.constant 0 : i32
        %dma_wait3A_26 = tpu.memref_slice %arg7[%dma_wait3A] : memref<10240xf32, #tpu.memory_space<vmem_shared>> -> memref<10240xf32, #tpu.memory_space<vmem_shared>>
        tpu.wait_indirect_dma semaphore(%run_scoped3A : memref<!tpu.dma_semaphore, #tpu.memory_space<semaphore_mem>>) src(%arg5 : memref<128xf32, #tpu.memory_space<vmem>>) dst(%dma_wait3A_26 : memref<10240xf32, #tpu.memory_space<vmem_shared>>)
        tpu.yield
      }) : () -> ()
    }
    %scan3A_14 = arith.constant 80 : i32
    %barrier3A_15 = arith.constant 0 : index
    tpu.barrier barrier_id(%barrier3A_15)
    %mul3A_16 = arith.constant 640 : i32
    %mul3A_17 = arith.muli %arg1, %mul3A_16 : i32
    %mul3A_18 = arith.constant 640 : i32
    %mul3A_19 = arith.muli %arg1, %mul3A_18 : i32
    "tpu.region"() ({
      %run_scoped3A = tpu.sem_alloc : memref<!tpu.dma_semaphore, #tpu.memory_space<semaphore_mem>>
      %dma_start3A = tpu.memref_slice %arg3[%arg0, %mul3A_19] : memref<2x10240xf32, #tpu.memory_space<hbm>> -> memref<1x640xf32, #tpu.memory_space<hbm>>
      %dma_start3A_20 = tpu.memref_squeeze %dma_start3A : memref<1x640xf32, #tpu.memory_space<hbm>> -> memref<640xf32, #tpu.memory_space<hbm>>
      %dma_start3A_21 = tpu.memref_slice %arg7[%mul3A_17] : memref<10240xf32, #tpu.memory_space<vmem_shared>> -> memref<640xf32, #tpu.memory_space<vmem_shared>>
      tpu.enqueue_dma source(%dma_start3A_21 : memref<640xf32, #tpu.memory_space<vmem_shared>>) target(%dma_start3A_20 : memref<640xf32, #tpu.memory_space<hbm>>) target_semaphore(%run_scoped3A : memref<!tpu.dma_semaphore, #tpu.memory_space<semaphore_mem>>)
      %dma_wait3A = tpu.memref_slice %arg3[%arg0, %mul3A_19] : memref<2x10240xf32, #tpu.memory_space<hbm>> -> memref<1x640xf32, #tpu.memory_space<hbm>>
      %dma_wait3A_22 = tpu.memref_squeeze %dma_wait3A : memref<1x640xf32, #tpu.memory_space<hbm>> -> memref<640xf32, #tpu.memory_space<hbm>>
      %dma_wait3A_23 = tpu.memref_slice %arg7[%mul3A_17] : memref<10240xf32, #tpu.memory_space<vmem_shared>> -> memref<640xf32, #tpu.memory_space<vmem_shared>>
      tpu.wait_dma2 semaphore(%run_scoped3A : memref<!tpu.dma_semaphore, #tpu.memory_space<semaphore_mem>>) src(%dma_wait3A_23 : memref<640xf32, #tpu.memory_space<vmem_shared>>) dst(%dma_wait3A_22 : memref<640xf32, #tpu.memory_space<hbm>>)
      tpu.yield
    }) : () -> ()
    return
  }
}

#map = affine_map<(d0, d1) -> (0, 0, 0)>
#map1 = affine_map<(d0, d1) -> (0)>
#map2 = affine_map<(d0, d1) -> (0, 0)>
module attributes {stable_mosaic.version = 14 : i64} {
  func.func @_agg_body(%arg0: i32, %arg1: i32, %arg2: memref<2x10000x128xf32, #tpu.memory_space<hbm>>, %arg3: memref<163840xi32, #tpu.memory_space<hbm>>, %arg4: memref<163840xi32, #tpu.memory_space<hbm>>, %arg5: memref<640x128xf32, #tpu.memory_space<hbm>>, %arg6: memref<2x10240x128xf32, #tpu.memory_space<hbm>>, %arg7: memref<128xi32, #tpu.memory_space<vmem>>, %arg8: memref<128xi32, #tpu.memory_space<vmem>>, %arg9: memref<128xi32, #tpu.memory_space<vmem>>, %arg10: memref<128xi32, #tpu.memory_space<vmem>>, %arg11: memref<128x128xf32, #tpu.memory_space<vmem>>, %arg12: memref<128x128xf32, #tpu.memory_space<vmem>>, %arg13: memref<10240x128xf32, #tpu.memory_space<vmem_shared>>, %arg14: memref<!tpu.dma_semaphore, #tpu.memory_space<semaphore_mem>>, %arg15: memref<!tpu.dma_semaphore, #tpu.memory_space<semaphore_mem>>) attributes {dimension_semantics = [#tpu.dimension_semantics<core_parallel>, #tpu.dimension_semantics<subcore_parallel>], iteration_bounds = array<i64: 2, 16>, scalar_prefetch = 0 : i64, scratch_operands = 9 : i64, tpu.core_type = #tpu.core_type<sc_vector_subcore>, window_params = [{transform_indices = #map}, {transform_indices = #map1}, {transform_indices = #map1}, {transform_indices = #map2}, {transform_indices = #map}]} {
    %mul3A = arith.constant 640 : i32
    %mul3A_0 = arith.muli %arg1, %mul3A : i32
    "tpu.region"() ({
      %run_scoped3A = tpu.sem_alloc : memref<!tpu.dma_semaphore, #tpu.memory_space<semaphore_mem>>
      %dma_start3A_18 = arith.constant 0 : i32
      %dma_start3A_19 = tpu.memref_slice %arg13[%mul3A_0, %dma_start3A_18] : memref<10240x128xf32, #tpu.memory_space<vmem_shared>> -> memref<640x128xf32, #tpu.memory_space<vmem_shared>>
      tpu.enqueue_dma source(%arg5 : memref<640x128xf32, #tpu.memory_space<hbm>>) target(%dma_start3A_19 : memref<640x128xf32, #tpu.memory_space<vmem_shared>>) target_semaphore(%run_scoped3A : memref<!tpu.dma_semaphore, #tpu.memory_space<semaphore_mem>>)
      %dma_wait3A = arith.constant 0 : i32
      %dma_wait3A_20 = tpu.memref_slice %arg13[%mul3A_0, %dma_wait3A] : memref<10240x128xf32, #tpu.memory_space<vmem_shared>> -> memref<640x128xf32, #tpu.memory_space<vmem_shared>>
      tpu.wait_dma2 semaphore(%run_scoped3A : memref<!tpu.dma_semaphore, #tpu.memory_space<semaphore_mem>>) src(%arg5 : memref<640x128xf32, #tpu.memory_space<hbm>>) dst(%dma_wait3A_20 : memref<640x128xf32, #tpu.memory_space<vmem_shared>>)
      tpu.yield
    }) : () -> ()
    %barrier3A = arith.constant 0 : index
    tpu.barrier barrier_id(%barrier3A)
    %mul3A_1 = arith.constant 10240 : i32
    %mul3A_2 = arith.muli %arg1, %mul3A_1 : i32
    "tpu.region"() ({
      %run_scoped3A = tpu.sem_alloc : memref<!tpu.dma_semaphore, #tpu.memory_space<semaphore_mem>>
      %dma_start3A_18 = tpu.memref_slice %arg3[%mul3A_2] : memref<163840xi32, #tpu.memory_space<hbm>> -> memref<128xi32, #tpu.memory_space<hbm>>
      %dma_start3A_19 = tpu.memref_slice %arg3[%mul3A_2] : memref<163840xi32, #tpu.memory_space<hbm>> -> memref<128xi32, #tpu.memory_space<hbm>>
      tpu.enqueue_dma source(%dma_start3A_19 : memref<128xi32, #tpu.memory_space<hbm>>) target(%arg7 : memref<128xi32, #tpu.memory_space<vmem>>) target_semaphore(%run_scoped3A : memref<!tpu.dma_semaphore, #tpu.memory_space<semaphore_mem>>)
      %dma_wait3A = tpu.memref_slice %arg3[%mul3A_2] : memref<163840xi32, #tpu.memory_space<hbm>> -> memref<128xi32, #tpu.memory_space<hbm>>
      %dma_wait3A_20 = tpu.memref_slice %arg3[%mul3A_2] : memref<163840xi32, #tpu.memory_space<hbm>> -> memref<128xi32, #tpu.memory_space<hbm>>
      tpu.wait_dma2 semaphore(%run_scoped3A : memref<!tpu.dma_semaphore, #tpu.memory_space<semaphore_mem>>) src(%dma_wait3A_20 : memref<128xi32, #tpu.memory_space<hbm>>) dst(%arg7 : memref<128xi32, #tpu.memory_space<vmem>>)
      tpu.yield
    }) : () -> ()
    "tpu.region"() ({
      %run_scoped3A = tpu.sem_alloc : memref<!tpu.dma_semaphore, #tpu.memory_space<semaphore_mem>>
      %dma_start3A_18 = tpu.memref_slice %arg4[%mul3A_2] : memref<163840xi32, #tpu.memory_space<hbm>> -> memref<128xi32, #tpu.memory_space<hbm>>
      %dma_start3A_19 = tpu.memref_slice %arg4[%mul3A_2] : memref<163840xi32, #tpu.memory_space<hbm>> -> memref<128xi32, #tpu.memory_space<hbm>>
      tpu.enqueue_dma source(%dma_start3A_19 : memref<128xi32, #tpu.memory_space<hbm>>) target(%arg8 : memref<128xi32, #tpu.memory_space<vmem>>) target_semaphore(%run_scoped3A : memref<!tpu.dma_semaphore, #tpu.memory_space<semaphore_mem>>)
      %dma_wait3A = tpu.memref_slice %arg4[%mul3A_2] : memref<163840xi32, #tpu.memory_space<hbm>> -> memref<128xi32, #tpu.memory_space<hbm>>
      %dma_wait3A_20 = tpu.memref_slice %arg4[%mul3A_2] : memref<163840xi32, #tpu.memory_space<hbm>> -> memref<128xi32, #tpu.memory_space<hbm>>
      tpu.wait_dma2 semaphore(%run_scoped3A : memref<!tpu.dma_semaphore, #tpu.memory_space<semaphore_mem>>) src(%dma_wait3A_20 : memref<128xi32, #tpu.memory_space<hbm>>) dst(%arg8 : memref<128xi32, #tpu.memory_space<vmem>>)
      tpu.yield
    }) : () -> ()
    %dma_start3A = arith.constant 0 : i32
    %dma_start3A_3 = arith.constant 0 : i32
    %dma_start3A_4 = tpu.memref_slice %arg2[%arg0, %dma_start3A, %dma_start3A_3] : memref<2x10000x128xf32, #tpu.memory_space<hbm>> -> memref<1x10000x128xf32, #tpu.memory_space<hbm>>
    %dma_start3A_5 = tpu.memref_squeeze %dma_start3A_4 : memref<1x10000x128xf32, #tpu.memory_space<hbm>> -> memref<10000x128xf32, #tpu.memory_space<hbm>>
    %dma_start3A_6 = arith.constant 0 : i32
    %dma_start3A_7 = arith.constant 0 : i32
    %dma_start3A_8 = tpu.memref_slice %dma_start3A_5[%dma_start3A_6, %dma_start3A_7] : memref<10000x128xf32, #tpu.memory_space<hbm>> -> memref<10000x128xf32, #tpu.memory_space<hbm>>
    tpu.enqueue_indirect_dma source(%dma_start3A_8 : memref<10000x128xf32, #tpu.memory_space<hbm>>) target(%arg11 : memref<128x128xf32, #tpu.memory_space<vmem>>) offsets(%arg7 : memref<128xi32, #tpu.memory_space<vmem>>) semaphore(%arg14 : memref<!tpu.dma_semaphore, #tpu.memory_space<semaphore_mem>>)
    %scan3A = arith.constant 0 : i32
    %scan3A_9 = arith.constant 40 : i32
    %scan3A_10 = arith.addi %scan3A, %scan3A_9 : i32
    %scan3A_11 = arith.constant 1 : i32
    scf.for %scan3A_18 = %scan3A to %scan3A_10 step %scan3A_11  : i32 {
      %mul3A_19 = arith.constant 2 : i32
      %mul3A_20 = arith.muli %mul3A_19, %scan3A_18 : i32
      %add3A = arith.constant 0 : i32
      %add3A_21 = arith.addi %mul3A_20, %add3A : i32
      %add3A_22 = arith.constant 1 : i32
      %add3A_23 = arith.addi %add3A_21, %add3A_22 : i32
      %lt3A = arith.constant 80 : i32
      %lt3A_24 = arith.cmpi slt, %add3A_23, %lt3A : i32
      %convert_element_type3A = arith.extui %lt3A_24 : i1 to i32
      %cond3A = arith.constant 0 : i32
      %cond3A_25 = arith.cmpi ne, %convert_element_type3A, %cond3A : i32
      scf.if %cond3A_25 {
        %add3A_50 = arith.constant 1 : i32
        %add3A_51 = arith.addi %add3A_21, %add3A_50 : i32
        %mul3A_52 = arith.constant 128 : i32
        %mul3A_53 = arith.muli %add3A_51, %mul3A_52 : i32
        %add3A_54 = arith.addi %mul3A_2, %mul3A_53 : i32
        "tpu.region"() ({
          %run_scoped3A = tpu.sem_alloc : memref<!tpu.dma_semaphore, #tpu.memory_space<semaphore_mem>>
          %dma_start3A_62 = tpu.memref_slice %arg3[%add3A_54] : memref<163840xi32, #tpu.memory_space<hbm>> -> memref<128xi32, #tpu.memory_space<hbm>>
          %dma_start3A_63 = tpu.memref_slice %arg3[%add3A_54] : memref<163840xi32, #tpu.memory_space<hbm>> -> memref<128xi32, #tpu.memory_space<hbm>>
          tpu.enqueue_dma source(%dma_start3A_63 : memref<128xi32, #tpu.memory_space<hbm>>) target(%arg9 : memref<128xi32, #tpu.memory_space<vmem>>) target_semaphore(%run_scoped3A : memref<!tpu.dma_semaphore, #tpu.memory_space<semaphore_mem>>)
          %dma_wait3A_64 = tpu.memref_slice %arg3[%add3A_54] : memref<163840xi32, #tpu.memory_space<hbm>> -> memref<128xi32, #tpu.memory_space<hbm>>
          %dma_wait3A_65 = tpu.memref_slice %arg3[%add3A_54] : memref<163840xi32, #tpu.memory_space<hbm>> -> memref<128xi32, #tpu.memory_space<hbm>>
          tpu.wait_dma2 semaphore(%run_scoped3A : memref<!tpu.dma_semaphore, #tpu.memory_space<semaphore_mem>>) src(%dma_wait3A_65 : memref<128xi32, #tpu.memory_space<hbm>>) dst(%arg9 : memref<128xi32, #tpu.memory_space<vmem>>)
          tpu.yield
        }) : () -> ()
        "tpu.region"() ({
          %run_scoped3A = tpu.sem_alloc : memref<!tpu.dma_semaphore, #tpu.memory_space<semaphore_mem>>
          %dma_start3A_62 = tpu.memref_slice %arg4[%add3A_54] : memref<163840xi32, #tpu.memory_space<hbm>> -> memref<128xi32, #tpu.memory_space<hbm>>
          %dma_start3A_63 = tpu.memref_slice %arg4[%add3A_54] : memref<163840xi32, #tpu.memory_space<hbm>> -> memref<128xi32, #tpu.memory_space<hbm>>
          tpu.enqueue_dma source(%dma_start3A_63 : memref<128xi32, #tpu.memory_space<hbm>>) target(%arg10 : memref<128xi32, #tpu.memory_space<vmem>>) target_semaphore(%run_scoped3A : memref<!tpu.dma_semaphore, #tpu.memory_space<semaphore_mem>>)
          %dma_wait3A_64 = tpu.memref_slice %arg4[%add3A_54] : memref<163840xi32, #tpu.memory_space<hbm>> -> memref<128xi32, #tpu.memory_space<hbm>>
          %dma_wait3A_65 = tpu.memref_slice %arg4[%add3A_54] : memref<163840xi32, #tpu.memory_space<hbm>> -> memref<128xi32, #tpu.memory_space<hbm>>
          tpu.wait_dma2 semaphore(%run_scoped3A : memref<!tpu.dma_semaphore, #tpu.memory_space<semaphore_mem>>) src(%dma_wait3A_65 : memref<128xi32, #tpu.memory_space<hbm>>) dst(%arg10 : memref<128xi32, #tpu.memory_space<vmem>>)
          tpu.yield
        }) : () -> ()
        %dma_start3A_55 = arith.constant 0 : i32
        %dma_start3A_56 = arith.constant 0 : i32
        %dma_start3A_57 = tpu.memref_slice %arg2[%arg0, %dma_start3A_55, %dma_start3A_56] : memref<2x10000x128xf32, #tpu.memory_space<hbm>> -> memref<1x10000x128xf32, #tpu.memory_space<hbm>>
        %dma_start3A_58 = tpu.memref_squeeze %dma_start3A_57 : memref<1x10000x128xf32, #tpu.memory_space<hbm>> -> memref<10000x128xf32, #tpu.memory_space<hbm>>
        %dma_start3A_59 = arith.constant 0 : i32
        %dma_start3A_60 = arith.constant 0 : i32
        %dma_start3A_61 = tpu.memref_slice %dma_start3A_58[%dma_start3A_59, %dma_start3A_60] : memref<10000x128xf32, #tpu.memory_space<hbm>> -> memref<10000x128xf32, #tpu.memory_space<hbm>>
        tpu.enqueue_indirect_dma source(%dma_start3A_61 : memref<10000x128xf32, #tpu.memory_space<hbm>>) target(%arg12 : memref<128x128xf32, #tpu.memory_space<vmem>>) offsets(%arg9 : memref<128xi32, #tpu.memory_space<vmem>>) semaphore(%arg15 : memref<!tpu.dma_semaphore, #tpu.memory_space<semaphore_mem>>)
      } else {
      }
      %dma_wait3A = arith.constant 0 : i32
      %dma_wait3A_26 = arith.constant 0 : i32
      %dma_wait3A_27 = tpu.memref_slice %arg2[%arg0, %dma_wait3A, %dma_wait3A_26] : memref<2x10000x128xf32, #tpu.memory_space<hbm>> -> memref<1x10000x128xf32, #tpu.memory_space<hbm>>
      %dma_wait3A_28 = tpu.memref_squeeze %dma_wait3A_27 : memref<1x10000x128xf32, #tpu.memory_space<hbm>> -> memref<10000x128xf32, #tpu.memory_space<hbm>>
      %dma_wait3A_29 = arith.constant 0 : i32
      %dma_wait3A_30 = arith.constant 0 : i32
      %dma_wait3A_31 = tpu.memref_slice %dma_wait3A_28[%dma_wait3A_29, %dma_wait3A_30] : memref<10000x128xf32, #tpu.memory_space<hbm>> -> memref<10000x128xf32, #tpu.memory_space<hbm>>
      tpu.wait_indirect_dma semaphore(%arg14 : memref<!tpu.dma_semaphore, #tpu.memory_space<semaphore_mem>>) src(%dma_wait3A_31 : memref<10000x128xf32, #tpu.memory_space<hbm>>) dst(%arg11 : memref<128x128xf32, #tpu.memory_space<vmem>>)
      "tpu.region"() ({
        %run_scoped3A = tpu.sem_alloc : memref<!tpu.dma_semaphore, #tpu.memory_space<semaphore_mem>>
        %dma_start3A_50 = arith.constant 0 : i32
        %dma_start3A_51 = arith.constant 0 : i32
        %dma_start3A_52 = tpu.memref_slice %arg13[%dma_start3A_50, %dma_start3A_51] : memref<10240x128xf32, #tpu.memory_space<vmem_shared>> -> memref<10240x128xf32, #tpu.memory_space<vmem_shared>>
        tpu.enqueue_indirect_dma source(%arg11 : memref<128x128xf32, #tpu.memory_space<vmem>>) target(%dma_start3A_52 : memref<10240x128xf32, #tpu.memory_space<vmem_shared>>) offsets(%arg8 : memref<128xi32, #tpu.memory_space<vmem>>) semaphore(%run_scoped3A : memref<!tpu.dma_semaphore, #tpu.memory_space<semaphore_mem>>) {add = true}
        %dma_wait3A_53 = arith.constant 0 : i32
        %dma_wait3A_54 = arith.constant 0 : i32
        %dma_wait3A_55 = tpu.memref_slice %arg13[%dma_wait3A_53, %dma_wait3A_54] : memref<10240x128xf32, #tpu.memory_space<vmem_shared>> -> memref<10240x128xf32, #tpu.memory_space<vmem_shared>>
        tpu.wait_indirect_dma semaphore(%run_scoped3A : memref<!tpu.dma_semaphore, #tpu.memory_space<semaphore_mem>>) src(%arg11 : memref<128x128xf32, #tpu.memory_space<vmem>>) dst(%dma_wait3A_55 : memref<10240x128xf32, #tpu.memory_space<vmem_shared>>)
        tpu.yield
      }) : () -> ()
      %mul3A_32 = arith.constant 2 : i32
      %mul3A_33 = arith.muli %mul3A_32, %scan3A_18 : i32
      %add3A_34 = arith.constant 1 : i32
      %add3A_35 = arith.addi %mul3A_33, %add3A_34 : i32
      %add3A_36 = arith.constant 1 : i32
      %add3A_37 = arith.addi %add3A_35, %add3A_36 : i32
      %lt3A_38 = arith.constant 80 : i32
      %lt3A_39 = arith.cmpi slt, %add3A_37, %lt3A_38 : i32
      %convert_element_type3A_40 = arith.extui %lt3A_39 : i1 to i32
      %cond3A_41 = arith.constant 0 : i32
      %cond3A_42 = arith.cmpi ne, %convert_element_type3A_40, %cond3A_41 : i32
      scf.if %cond3A_42 {
        %add3A_50 = arith.constant 1 : i32
        %add3A_51 = arith.addi %add3A_35, %add3A_50 : i32
        %mul3A_52 = arith.constant 128 : i32
        %mul3A_53 = arith.muli %add3A_51, %mul3A_52 : i32
        %add3A_54 = arith.addi %mul3A_2, %mul3A_53 : i32
        "tpu.region"() ({
          %run_scoped3A = tpu.sem_alloc : memref<!tpu.dma_semaphore, #tpu.memory_space<semaphore_mem>>
          %dma_start3A_62 = tpu.memref_slice %arg3[%add3A_54] : memref<163840xi32, #tpu.memory_space<hbm>> -> memref<128xi32, #tpu.memory_space<hbm>>
          %dma_start3A_63 = tpu.memref_slice %arg3[%add3A_54] : memref<163840xi32, #tpu.memory_space<hbm>> -> memref<128xi32, #tpu.memory_space<hbm>>
          tpu.enqueue_dma source(%dma_start3A_63 : memref<128xi32, #tpu.memory_space<hbm>>) target(%arg7 : memref<128xi32, #tpu.memory_space<vmem>>) target_semaphore(%run_scoped3A : memref<!tpu.dma_semaphore, #tpu.memory_space<semaphore_mem>>)
          %dma_wait3A_64 = tpu.memref_slice %arg3[%add3A_54] : memref<163840xi32, #tpu.memory_space<hbm>> -> memref<128xi32, #tpu.memory_space<hbm>>
          %dma_wait3A_65 = tpu.memref_slice %arg3[%add3A_54] : memref<163840xi32, #tpu.memory_space<hbm>> -> memref<128xi32, #tpu.memory_space<hbm>>
          tpu.wait_dma2 semaphore(%run_scoped3A : memref<!tpu.dma_semaphore, #tpu.memory_space<semaphore_mem>>) src(%dma_wait3A_65 : memref<128xi32, #tpu.memory_space<hbm>>) dst(%arg7 : memref<128xi32, #tpu.memory_space<vmem>>)
          tpu.yield
        }) : () -> ()
        "tpu.region"() ({
          %run_scoped3A = tpu.sem_alloc : memref<!tpu.dma_semaphore, #tpu.memory_space<semaphore_mem>>
          %dma_start3A_62 = tpu.memref_slice %arg4[%add3A_54] : memref<163840xi32, #tpu.memory_space<hbm>> -> memref<128xi32, #tpu.memory_space<hbm>>
          %dma_start3A_63 = tpu.memref_slice %arg4[%add3A_54] : memref<163840xi32, #tpu.memory_space<hbm>> -> memref<128xi32, #tpu.memory_space<hbm>>
          tpu.enqueue_dma source(%dma_start3A_63 : memref<128xi32, #tpu.memory_space<hbm>>) target(%arg8 : memref<128xi32, #tpu.memory_space<vmem>>) target_semaphore(%run_scoped3A : memref<!tpu.dma_semaphore, #tpu.memory_space<semaphore_mem>>)
          %dma_wait3A_64 = tpu.memref_slice %arg4[%add3A_54] : memref<163840xi32, #tpu.memory_space<hbm>> -> memref<128xi32, #tpu.memory_space<hbm>>
          %dma_wait3A_65 = tpu.memref_slice %arg4[%add3A_54] : memref<163840xi32, #tpu.memory_space<hbm>> -> memref<128xi32, #tpu.memory_space<hbm>>
          tpu.wait_dma2 semaphore(%run_scoped3A : memref<!tpu.dma_semaphore, #tpu.memory_space<semaphore_mem>>) src(%dma_wait3A_65 : memref<128xi32, #tpu.memory_space<hbm>>) dst(%arg8 : memref<128xi32, #tpu.memory_space<vmem>>)
          tpu.yield
        }) : () -> ()
        %dma_start3A_55 = arith.constant 0 : i32
        %dma_start3A_56 = arith.constant 0 : i32
        %dma_start3A_57 = tpu.memref_slice %arg2[%arg0, %dma_start3A_55, %dma_start3A_56] : memref<2x10000x128xf32, #tpu.memory_space<hbm>> -> memref<1x10000x128xf32, #tpu.memory_space<hbm>>
        %dma_start3A_58 = tpu.memref_squeeze %dma_start3A_57 : memref<1x10000x128xf32, #tpu.memory_space<hbm>> -> memref<10000x128xf32, #tpu.memory_space<hbm>>
        %dma_start3A_59 = arith.constant 0 : i32
        %dma_start3A_60 = arith.constant 0 : i32
        %dma_start3A_61 = tpu.memref_slice %dma_start3A_58[%dma_start3A_59, %dma_start3A_60] : memref<10000x128xf32, #tpu.memory_space<hbm>> -> memref<10000x128xf32, #tpu.memory_space<hbm>>
        tpu.enqueue_indirect_dma source(%dma_start3A_61 : memref<10000x128xf32, #tpu.memory_space<hbm>>) target(%arg11 : memref<128x128xf32, #tpu.memory_space<vmem>>) offsets(%arg7 : memref<128xi32, #tpu.memory_space<vmem>>) semaphore(%arg14 : memref<!tpu.dma_semaphore, #tpu.memory_space<semaphore_mem>>)
      } else {
      }
      %dma_wait3A_43 = arith.constant 0 : i32
      %dma_wait3A_44 = arith.constant 0 : i32
      %dma_wait3A_45 = tpu.memref_slice %arg2[%arg0, %dma_wait3A_43, %dma_wait3A_44] : memref<2x10000x128xf32, #tpu.memory_space<hbm>> -> memref<1x10000x128xf32, #tpu.memory_space<hbm>>
      %dma_wait3A_46 = tpu.memref_squeeze %dma_wait3A_45 : memref<1x10000x128xf32, #tpu.memory_space<hbm>> -> memref<10000x128xf32, #tpu.memory_space<hbm>>
      %dma_wait3A_47 = arith.constant 0 : i32
      %dma_wait3A_48 = arith.constant 0 : i32
      %dma_wait3A_49 = tpu.memref_slice %dma_wait3A_46[%dma_wait3A_47, %dma_wait3A_48] : memref<10000x128xf32, #tpu.memory_space<hbm>> -> memref<10000x128xf32, #tpu.memory_space<hbm>>
      tpu.wait_indirect_dma semaphore(%arg15 : memref<!tpu.dma_semaphore, #tpu.memory_space<semaphore_mem>>) src(%dma_wait3A_49 : memref<10000x128xf32, #tpu.memory_space<hbm>>) dst(%arg12 : memref<128x128xf32, #tpu.memory_space<vmem>>)
      "tpu.region"() ({
        %run_scoped3A = tpu.sem_alloc : memref<!tpu.dma_semaphore, #tpu.memory_space<semaphore_mem>>
        %dma_start3A_50 = arith.constant 0 : i32
        %dma_start3A_51 = arith.constant 0 : i32
        %dma_start3A_52 = tpu.memref_slice %arg13[%dma_start3A_50, %dma_start3A_51] : memref<10240x128xf32, #tpu.memory_space<vmem_shared>> -> memref<10240x128xf32, #tpu.memory_space<vmem_shared>>
        tpu.enqueue_indirect_dma source(%arg12 : memref<128x128xf32, #tpu.memory_space<vmem>>) target(%dma_start3A_52 : memref<10240x128xf32, #tpu.memory_space<vmem_shared>>) offsets(%arg10 : memref<128xi32, #tpu.memory_space<vmem>>) semaphore(%run_scoped3A : memref<!tpu.dma_semaphore, #tpu.memory_space<semaphore_mem>>) {add = true}
        %dma_wait3A_53 = arith.constant 0 : i32
        %dma_wait3A_54 = arith.constant 0 : i32
        %dma_wait3A_55 = tpu.memref_slice %arg13[%dma_wait3A_53, %dma_wait3A_54] : memref<10240x128xf32, #tpu.memory_space<vmem_shared>> -> memref<10240x128xf32, #tpu.memory_space<vmem_shared>>
        tpu.wait_indirect_dma semaphore(%run_scoped3A : memref<!tpu.dma_semaphore, #tpu.memory_space<semaphore_mem>>) src(%arg12 : memref<128x128xf32, #tpu.memory_space<vmem>>) dst(%dma_wait3A_55 : memref<10240x128xf32, #tpu.memory_space<vmem_shared>>)
        tpu.yield
      }) : () -> ()
    }
    %scan3A_12 = arith.constant 40 : i32
    %barrier3A_13 = arith.constant 0 : index
    tpu.barrier barrier_id(%barrier3A_13)
    %mul3A_14 = arith.constant 640 : i32
    %mul3A_15 = arith.muli %arg1, %mul3A_14 : i32
    %mul3A_16 = arith.constant 640 : i32
    %mul3A_17 = arith.muli %arg1, %mul3A_16 : i32
    "tpu.region"() ({
      %run_scoped3A = tpu.sem_alloc : memref<!tpu.dma_semaphore, #tpu.memory_space<semaphore_mem>>
      %dma_start3A_18 = arith.constant 0 : i32
      %dma_start3A_19 = tpu.memref_slice %arg6[%arg0, %mul3A_17, %dma_start3A_18] : memref<2x10240x128xf32, #tpu.memory_space<hbm>> -> memref<1x640x128xf32, #tpu.memory_space<hbm>>
      %dma_start3A_20 = tpu.memref_squeeze %dma_start3A_19 : memref<1x640x128xf32, #tpu.memory_space<hbm>> -> memref<640x128xf32, #tpu.memory_space<hbm>>
      %dma_start3A_21 = arith.constant 0 : i32
      %dma_start3A_22 = tpu.memref_slice %arg13[%mul3A_15, %dma_start3A_21] : memref<10240x128xf32, #tpu.memory_space<vmem_shared>> -> memref<640x128xf32, #tpu.memory_space<vmem_shared>>
      tpu.enqueue_dma source(%dma_start3A_22 : memref<640x128xf32, #tpu.memory_space<vmem_shared>>) target(%dma_start3A_20 : memref<640x128xf32, #tpu.memory_space<hbm>>) target_semaphore(%run_scoped3A : memref<!tpu.dma_semaphore, #tpu.memory_space<semaphore_mem>>)
      %dma_wait3A = arith.constant 0 : i32
      %dma_wait3A_23 = tpu.memref_slice %arg6[%arg0, %mul3A_17, %dma_wait3A] : memref<2x10240x128xf32, #tpu.memory_space<hbm>> -> memref<1x640x128xf32, #tpu.memory_space<hbm>>
      %dma_wait3A_24 = tpu.memref_squeeze %dma_wait3A_23 : memref<1x640x128xf32, #tpu.memory_space<hbm>> -> memref<640x128xf32, #tpu.memory_space<hbm>>
      %dma_wait3A_25 = arith.constant 0 : i32
      %dma_wait3A_26 = tpu.memref_slice %arg13[%mul3A_15, %dma_wait3A_25] : memref<10240x128xf32, #tpu.memory_space<vmem_shared>> -> memref<640x128xf32, #tpu.memory_space<vmem_shared>>
      tpu.wait_dma2 semaphore(%run_scoped3A : memref<!tpu.dma_semaphore, #tpu.memory_space<semaphore_mem>>) src(%dma_wait3A_26 : memref<640x128xf32, #tpu.memory_space<vmem_shared>>) dst(%dma_wait3A_24 : memref<640x128xf32, #tpu.memory_space<hbm>>)
      tpu.yield
    }) : () -> ()
    return
  }
}

module attributes {stable_mosaic.version = 14 : i64} {
  func.func @_scale_body(%arg0: i32, %arg1: memref<1000x256xf32, #tpu.memory_space<vmem>>, %arg2: memref<1000x1xf32, #tpu.memory_space<vmem>>, %arg3: memref<2x1000x128xf32, #tpu.memory_space<vmem>>) attributes {dimension_semantics = [#tpu.dimension_semantics<arbitrary>], iteration_bounds = array<i64: 10>, scalar_prefetch = 0 : i64, scratch_operands = 0 : i64, tpu.core_type = #tpu.core_type<tc>, window_params = [{transform_indices = @transform_0, window_bounds = array<i64: 1000, 256>}, {transform_indices = @transform_1, window_bounds = array<i64: 1000, 1>}, {transform_indices = @transform_2, window_bounds = array<i64: 2, 1000, 128>}]} {
    %get3A = arith.constant 0 : index
    %get3A_0 = arith.constant 0 : index
    %get3A_1 = vector.load %arg2[%get3A, %get3A_0] : memref<1000x1xf32, #tpu.memory_space<vmem>>, vector<1000x1xf32>
    %max3A = arith.constant 1.000000e+00 : f32
    %max3A_2 = vector.broadcast %max3A : f32 to vector<1000x1xf32>
    %max3A_3 = arith.maximumf %get3A_1, %max3A_2 : vector<1000x1xf32>
    %rsqrt3A = math.rsqrt %max3A_3 : vector<1000x1xf32>
    %get3A_4 = arith.constant 0 : index
    %get3A_5 = arith.constant 0 : index
    %get3A_6 = vector.load %arg1[%get3A_4, %get3A_5] : memref<1000x256xf32, #tpu.memory_space<vmem>>, vector<1000x256xf32>
    %mul3A = vector.broadcast %rsqrt3A : vector<1000x1xf32> to vector<1000x256xf32>
    %mul3A_7 = arith.mulf %get3A_6, %mul3A : vector<1000x256xf32>
    %slice3A = vector.extract_strided_slice %mul3A_7 {offsets = [0, 0], sizes = [1000, 128], strides = [1, 1]} : vector<1000x256xf32> to vector<1000x128xf32>
    %swap3A = arith.constant 0 : index
    %swap3A_8 = arith.constant 0 : index
    %swap3A_9 = arith.constant 0 : index
    %swap3A_10 = vector.load %arg3[%swap3A, %swap3A_8, %swap3A_9] : memref<2x1000x128xf32, #tpu.memory_space<vmem>>, vector<1x1000x128xf32>
    %swap3A_11 = vector.shape_cast %swap3A_10 : vector<1x1000x128xf32> to vector<1000x128xf32>
    %swap3A_12 = vector.shape_cast %slice3A : vector<1000x128xf32> to vector<1x1000x128xf32>
    tpu.vector_store %arg3[%swap3A, %swap3A_8, %swap3A_9], %swap3A_12 {strides = array<i32>} : memref<2x1000x128xf32, #tpu.memory_space<vmem>>, vector<1x1000x128xf32>,
    %slice3A_13 = vector.extract_strided_slice %mul3A_7 {offsets = [0, 128], sizes = [1000, 128], strides = [1, 1]} : vector<1000x256xf32> to vector<1000x128xf32>
    %swap3A_14 = arith.constant 1 : index
    %swap3A_15 = arith.constant 0 : index
    %swap3A_16 = arith.constant 0 : index
    %swap3A_17 = vector.load %arg3[%swap3A_14, %swap3A_15, %swap3A_16] : memref<2x1000x128xf32, #tpu.memory_space<vmem>>, vector<1x1000x128xf32>
    %swap3A_18 = vector.shape_cast %swap3A_17 : vector<1x1000x128xf32> to vector<1000x128xf32>
    %swap3A_19 = vector.shape_cast %slice3A_13 : vector<1000x128xf32> to vector<1x1000x128xf32>
    tpu.vector_store %arg3[%swap3A_14, %swap3A_15, %swap3A_16], %swap3A_19 {strides = array<i32>} : memref<2x1000x128xf32, #tpu.memory_space<vmem>>, vector<1x1000x128xf32>,
    return
  }
  func.func @transform_0(%arg0: i32) -> (i32, i32) {
    %c0_i32 = arith.constant 0 : i32
    %c0_i32_0 = arith.constant 0 : i32
    return %arg0, %c0_i32 : i32, i32
  }
  func.func @transform_1(%arg0: i32) -> (i32, i32) {
    %c0_i32 = arith.constant 0 : i32
    %c0_i32_0 = arith.constant 0 : i32
    return %arg0, %c0_i32 : i32, i32
  }
  func.func @transform_2(%arg0: i32) -> (i32, i32, i32) {
    %c0_i32 = arith.constant 0 : i32
    %c0_i32_0 = arith.constant 0 : i32
    %c0_i32_1 = arith.constant 0 : i32
    return %c0_i32, %arg0, %c0_i32_0 : i32, i32, i32
  }
}

module attributes {stable_mosaic.version = 14 : i64} {
  func.func @_layer1_body(%arg0: i32, %arg1: memref<2x1000x128xf32, #tpu.memory_space<vmem>>, %arg2: memref<256x256xf32, #tpu.memory_space<vmem>>, %arg3: memref<1x256xf32, #tpu.memory_space<vmem>>, %arg4: memref<1000x1xf32, #tpu.memory_space<vmem>>, %arg5: memref<1000x1xf32, #tpu.memory_space<vmem>>, %arg6: memref<2x1000x128xf32, #tpu.memory_space<vmem>>) attributes {dimension_semantics = [#tpu.dimension_semantics<arbitrary>], iteration_bounds = array<i64: 10>, scalar_prefetch = 0 : i64, scratch_operands = 0 : i64, tpu.core_type = #tpu.core_type<tc>, window_params = [{transform_indices = @transform_0, window_bounds = array<i64: 2, 1000, 128>}, {pipeline_mode = #tpu.pipeline_mode<synchronous>, transform_indices = @transform_1, window_bounds = array<i64: 256, 256>}, {pipeline_mode = #tpu.pipeline_mode<synchronous>, transform_indices = @transform_2, window_bounds = array<i64: 1, 256>}, {transform_indices = @transform_3, window_bounds = array<i64: 1000, 1>}, {transform_indices = @transform_4, window_bounds = array<i64: 1000, 1>}, {transform_indices = @transform_5, window_bounds = array<i64: 2, 1000, 128>}]} {
    %get3A = arith.constant 0 : index
    %get3A_0 = arith.constant 0 : index
    %get3A_1 = arith.constant 0 : index
    %get3A_2 = vector.load %arg1[%get3A, %get3A_0, %get3A_1] : memref<2x1000x128xf32, #tpu.memory_space<vmem>>, vector<1x1000x128xf32>
    %get3A_3 = vector.shape_cast %get3A_2 : vector<1x1000x128xf32> to vector<1000x128xf32>
    %get3A_4 = arith.constant 0 : index
    %get3A_5 = arith.constant 0 : index
    %get3A_6 = vector.load %arg2[%get3A_4, %get3A_5] : memref<256x256xf32, #tpu.memory_space<vmem>>, vector<128x256xf32>
    %dot_general3A = arith.constant dense<0.000000e+00> : vector<1000x256xf32>
    %dot_general3A_7 = tpu.matmul %get3A_3, %get3A_6, %dot_general3A {dimension_numbers = #tpu.dot_dimension_numbers<[1], [0], [0], [1], [0, 0, 1, 1], [], []>, transpose_lhs_hint = false} : vector<1000x128xf32>, vector<128x256xf32>, vector<1000x256xf32> -> vector<1000x256xf32>
    %get3A_8 = arith.constant 1 : index
    %get3A_9 = arith.constant 0 : index
    %get3A_10 = arith.constant 0 : index
    %get3A_11 = vector.load %arg1[%get3A_8, %get3A_9, %get3A_10] : memref<2x1000x128xf32, #tpu.memory_space<vmem>>, vector<1x1000x128xf32>
    %get3A_12 = vector.shape_cast %get3A_11 : vector<1x1000x128xf32> to vector<1000x128xf32>
    %get3A_13 = arith.constant 128 : index
    %get3A_14 = arith.constant 0 : index
    %get3A_15 = vector.load %arg2[%get3A_13, %get3A_14] : memref<256x256xf32, #tpu.memory_space<vmem>>, vector<128x256xf32>
    %dot_general3A_16 = arith.constant dense<0.000000e+00> : vector<1000x256xf32>
    %dot_general3A_17 = tpu.matmul %get3A_12, %get3A_15, %dot_general3A_16 {dimension_numbers = #tpu.dot_dimension_numbers<[1], [0], [0], [1], [0, 0, 1, 1], [], []>, transpose_lhs_hint = false} : vector<1000x128xf32>, vector<128x256xf32>, vector<1000x256xf32> -> vector<1000x256xf32>
    %add3A = arith.addf %dot_general3A_7, %dot_general3A_17 : vector<1000x256xf32>
    %get3A_18 = arith.constant 0 : index
    %get3A_19 = arith.constant 0 : index
    %get3A_20 = vector.load %arg5[%get3A_18, %get3A_19] : memref<1000x1xf32, #tpu.memory_space<vmem>>, vector<1000x1xf32>
    %max3A = arith.constant 1.000000e+00 : f32
    %max3A_21 = vector.broadcast %max3A : f32 to vector<1000x1xf32>
    %max3A_22 = arith.maximumf %get3A_20, %max3A_21 : vector<1000x1xf32>
    %rsqrt3A = math.rsqrt %max3A_22 : vector<1000x1xf32>
    %mul3A = vector.broadcast %rsqrt3A : vector<1000x1xf32> to vector<1000x256xf32>
    %mul3A_23 = arith.mulf %add3A, %mul3A : vector<1000x256xf32>
    %get3A_24 = arith.constant 0 : index
    %get3A_25 = arith.constant 0 : index
    %get3A_26 = vector.load %arg3[%get3A_24, %get3A_25] : memref<1x256xf32, #tpu.memory_space<vmem>>, vector<1x256xf32>
    %add3A_27 = vector.broadcast %get3A_26 : vector<1x256xf32> to vector<1000x256xf32>
    %add3A_28 = arith.addf %mul3A_23, %add3A_27 : vector<1000x256xf32>
    %max3A_29 = arith.constant 0.000000e+00 : f32
    %max3A_30 = vector.broadcast %max3A_29 : f32 to vector<1000x256xf32>
    %max3A_31 = arith.maximumf %add3A_28, %max3A_30 : vector<1000x256xf32>
    %get3A_32 = arith.constant 0 : index
    %get3A_33 = arith.constant 0 : index
    %get3A_34 = vector.load %arg4[%get3A_32, %get3A_33] : memref<1000x1xf32, #tpu.memory_space<vmem>>, vector<1000x1xf32>
    %max3A_35 = arith.constant 1.000000e+00 : f32
    %max3A_36 = vector.broadcast %max3A_35 : f32 to vector<1000x1xf32>
    %max3A_37 = arith.maximumf %get3A_34, %max3A_36 : vector<1000x1xf32>
    %rsqrt3A_38 = math.rsqrt %max3A_37 : vector<1000x1xf32>
    %mul3A_39 = vector.broadcast %rsqrt3A_38 : vector<1000x1xf32> to vector<1000x256xf32>
    %mul3A_40 = arith.mulf %max3A_31, %mul3A_39 : vector<1000x256xf32>
    %slice3A = vector.extract_strided_slice %mul3A_40 {offsets = [0, 0], sizes = [1000, 128], strides = [1, 1]} : vector<1000x256xf32> to vector<1000x128xf32>
    %swap3A = arith.constant 0 : index
    %swap3A_41 = arith.constant 0 : index
    %swap3A_42 = arith.constant 0 : index
    %swap3A_43 = vector.load %arg6[%swap3A, %swap3A_41, %swap3A_42] : memref<2x1000x128xf32, #tpu.memory_space<vmem>>, vector<1x1000x128xf32>
    %swap3A_44 = vector.shape_cast %swap3A_43 : vector<1x1000x128xf32> to vector<1000x128xf32>
    %swap3A_45 = vector.shape_cast %slice3A : vector<1000x128xf32> to vector<1x1000x128xf32>
    tpu.vector_store %arg6[%swap3A, %swap3A_41, %swap3A_42], %swap3A_45 {strides = array<i32>} : memref<2x1000x128xf32, #tpu.memory_space<vmem>>, vector<1x1000x128xf32>,
    %slice3A_46 = vector.extract_strided_slice %mul3A_40 {offsets = [0, 128], sizes = [1000, 128], strides = [1, 1]} : vector<1000x256xf32> to vector<1000x128xf32>
    %swap3A_47 = arith.constant 1 : index
    %swap3A_48 = arith.constant 0 : index
    %swap3A_49 = arith.constant 0 : index
    %swap3A_50 = vector.load %arg6[%swap3A_47, %swap3A_48, %swap3A_49] : memref<2x1000x128xf32, #tpu.memory_space<vmem>>, vector<1x1000x128xf32>
    %swap3A_51 = vector.shape_cast %swap3A_50 : vector<1x1000x128xf32> to vector<1000x128xf32>
    %swap3A_52 = vector.shape_cast %slice3A_46 : vector<1000x128xf32> to vector<1x1000x128xf32>
    tpu.vector_store %arg6[%swap3A_47, %swap3A_48, %swap3A_49], %swap3A_52 {strides = array<i32>} : memref<2x1000x128xf32, #tpu.memory_space<vmem>>, vector<1x1000x128xf32>,
    return
  }
  func.func @transform_0(%arg0: i32) -> (i32, i32, i32) {
    %c0_i32 = arith.constant 0 : i32
    %c0_i32_0 = arith.constant 0 : i32
    %c0_i32_1 = arith.constant 0 : i32
    return %c0_i32, %arg0, %c0_i32_0 : i32, i32, i32
  }
  func.func @transform_1(%arg0: i32) -> (i32, i32) {
    %c0_i32 = arith.constant 0 : i32
    %c0_i32_0 = arith.constant 0 : i32
    %c0_i32_1 = arith.constant 0 : i32
    return %c0_i32, %c0_i32_0 : i32, i32
  }
  func.func @transform_2(%arg0: i32) -> (i32, i32) {
    %c0_i32 = arith.constant 0 : i32
    %c0_i32_0 = arith.constant 0 : i32
    %c0_i32_1 = arith.constant 0 : i32
    return %c0_i32, %c0_i32_0 : i32, i32
  }
  func.func @transform_3(%arg0: i32) -> (i32, i32) {
    %c0_i32 = arith.constant 0 : i32
    %c0_i32_0 = arith.constant 0 : i32
    return %arg0, %c0_i32 : i32, i32
  }
  func.func @transform_4(%arg0: i32) -> (i32, i32) {
    %c0_i32 = arith.constant 0 : i32
    %c0_i32_0 = arith.constant 0 : i32
    return %arg0, %c0_i32 : i32, i32
  }
  func.func @transform_5(%arg0: i32) -> (i32, i32, i32) {
    %c0_i32 = arith.constant 0 : i32
    %c0_i32_0 = arith.constant 0 : i32
    %c0_i32_1 = arith.constant 0 : i32
    return %c0_i32, %arg0, %c0_i32_0 : i32, i32, i32
  }
}

module attributes {stable_mosaic.version = 14 : i64} {
  func.func @_head_body(%arg0: i32, %arg1: memref<2x1000x128xf32, #tpu.memory_space<vmem>>, %arg2: memref<256x128xf32, #tpu.memory_space<vmem>>, %arg3: memref<1x128xf32, #tpu.memory_space<vmem>>, %arg4: memref<256x128xf32, #tpu.memory_space<vmem>>, %arg5: memref<1x128xf32, #tpu.memory_space<vmem>>, %arg6: memref<1000x1xf32, #tpu.memory_space<vmem>>, %arg7: memref<1000x128xf32, #tpu.memory_space<vmem>>, %arg8: memref<1000x128xf32, #tpu.memory_space<vmem>>) attributes {dimension_semantics = [#tpu.dimension_semantics<arbitrary>], iteration_bounds = array<i64: 10>, scalar_prefetch = 0 : i64, scratch_operands = 0 : i64, tpu.core_type = #tpu.core_type<tc>, window_params = [{transform_indices = @transform_0, window_bounds = array<i64: 2, 1000, 128>}, {pipeline_mode = #tpu.pipeline_mode<synchronous>, transform_indices = @transform_1, window_bounds = array<i64: 256, 128>}, {pipeline_mode = #tpu.pipeline_mode<synchronous>, transform_indices = @transform_2, window_bounds = array<i64: 1, 128>}, {pipeline_mode = #tpu.pipeline_mode<synchronous>, transform_indices = @transform_3, window_bounds = array<i64: 256, 128>}, {pipeline_mode = #tpu.pipeline_mode<synchronous>, transform_indices = @transform_4, window_bounds = array<i64: 1, 128>}, {transform_indices = @transform_5, window_bounds = array<i64: 1000, 1>}, {transform_indices = @transform_6, window_bounds = array<i64: 1000, 128>}, {transform_indices = @transform_7, window_bounds = array<i64: 1000, 128>}]} {
    %get3A = arith.constant 0 : index
    %get3A_0 = arith.constant 0 : index
    %get3A_1 = arith.constant 0 : index
    %get3A_2 = vector.load %arg1[%get3A, %get3A_0, %get3A_1] : memref<2x1000x128xf32, #tpu.memory_space<vmem>>, vector<1x1000x128xf32>
    %get3A_3 = vector.shape_cast %get3A_2 : vector<1x1000x128xf32> to vector<1000x128xf32>
    %get3A_4 = arith.constant 1 : index
    %get3A_5 = arith.constant 0 : index
    %get3A_6 = arith.constant 0 : index
    %get3A_7 = vector.load %arg1[%get3A_4, %get3A_5, %get3A_6] : memref<2x1000x128xf32, #tpu.memory_space<vmem>>, vector<1x1000x128xf32>
    %get3A_8 = vector.shape_cast %get3A_7 : vector<1x1000x128xf32> to vector<1000x128xf32>
    %get3A_9 = arith.constant 0 : index
    %get3A_10 = arith.constant 0 : index
    %get3A_11 = vector.load %arg2[%get3A_9, %get3A_10] : memref<256x128xf32, #tpu.memory_space<vmem>>, vector<128x128xf32>
    %dot_general3A = arith.constant dense<0.000000e+00> : vector<1000x128xf32>
    %dot_general3A_12 = tpu.matmul %get3A_3, %get3A_11, %dot_general3A {dimension_numbers = #tpu.dot_dimension_numbers<[1], [0], [0], [1], [0, 0, 1, 1], [], []>, transpose_lhs_hint = false} : vector<1000x128xf32>, vector<128x128xf32>, vector<1000x128xf32> -> vector<1000x128xf32>
    %get3A_13 = arith.constant 128 : index
    %get3A_14 = arith.constant 0 : index
    %get3A_15 = vector.load %arg2[%get3A_13, %get3A_14] : memref<256x128xf32, #tpu.memory_space<vmem>>, vector<128x128xf32>
    %dot_general3A_16 = arith.constant dense<0.000000e+00> : vector<1000x128xf32>
    %dot_general3A_17 = tpu.matmul %get3A_8, %get3A_15, %dot_general3A_16 {dimension_numbers = #tpu.dot_dimension_numbers<[1], [0], [0], [1], [0, 0, 1, 1], [], []>, transpose_lhs_hint = false} : vector<1000x128xf32>, vector<128x128xf32>, vector<1000x128xf32> -> vector<1000x128xf32>
    %add3A = arith.addf %dot_general3A_12, %dot_general3A_17 : vector<1000x128xf32>
    %get3A_18 = arith.constant 0 : index
    %get3A_19 = arith.constant 0 : index
    %get3A_20 = vector.load %arg4[%get3A_18, %get3A_19] : memref<256x128xf32, #tpu.memory_space<vmem>>, vector<128x128xf32>
    %dot_general3A_21 = arith.constant dense<0.000000e+00> : vector<1000x128xf32>
    %dot_general3A_22 = tpu.matmul %get3A_3, %get3A_20, %dot_general3A_21 {dimension_numbers = #tpu.dot_dimension_numbers<[1], [0], [0], [1], [0, 0, 1, 1], [], []>, transpose_lhs_hint = false} : vector<1000x128xf32>, vector<128x128xf32>, vector<1000x128xf32> -> vector<1000x128xf32>
    %get3A_23 = arith.constant 128 : index
    %get3A_24 = arith.constant 0 : index
    %get3A_25 = vector.load %arg4[%get3A_23, %get3A_24] : memref<256x128xf32, #tpu.memory_space<vmem>>, vector<128x128xf32>
    %dot_general3A_26 = arith.constant dense<0.000000e+00> : vector<1000x128xf32>
    %dot_general3A_27 = tpu.matmul %get3A_8, %get3A_25, %dot_general3A_26 {dimension_numbers = #tpu.dot_dimension_numbers<[1], [0], [0], [1], [0, 0, 1, 1], [], []>, transpose_lhs_hint = false} : vector<1000x128xf32>, vector<128x128xf32>, vector<1000x128xf32> -> vector<1000x128xf32>
    %add3A_28 = arith.addf %dot_general3A_22, %dot_general3A_27 : vector<1000x128xf32>
    %get3A_29 = arith.constant 0 : index
    %get3A_30 = arith.constant 0 : index
    %get3A_31 = vector.load %arg6[%get3A_29, %get3A_30] : memref<1000x1xf32, #tpu.memory_space<vmem>>, vector<1000x1xf32>
    %max3A = arith.constant 1.000000e+00 : f32
    %max3A_32 = vector.broadcast %max3A : f32 to vector<1000x1xf32>
    %max3A_33 = arith.maximumf %get3A_31, %max3A_32 : vector<1000x1xf32>
    %rsqrt3A = math.rsqrt %max3A_33 : vector<1000x1xf32>
    %mul3A = vector.broadcast %rsqrt3A : vector<1000x1xf32> to vector<1000x128xf32>
    %mul3A_34 = arith.mulf %add3A, %mul3A : vector<1000x128xf32>
    %get3A_35 = arith.constant 0 : index
    %get3A_36 = arith.constant 0 : index
    %get3A_37 = vector.load %arg3[%get3A_35, %get3A_36] : memref<1x128xf32, #tpu.memory_space<vmem>>, vector<1x128xf32>
    %add3A_38 = vector.broadcast %get3A_37 : vector<1x128xf32> to vector<1000x128xf32>
    %add3A_39 = arith.addf %mul3A_34, %add3A_38 : vector<1000x128xf32>
    %mul3A_40 = vector.broadcast %rsqrt3A : vector<1000x1xf32> to vector<1000x128xf32>
    %mul3A_41 = arith.mulf %add3A_28, %mul3A_40 : vector<1000x128xf32>
    %get3A_42 = arith.constant 0 : index
    %get3A_43 = arith.constant 0 : index
    %get3A_44 = vector.load %arg5[%get3A_42, %get3A_43] : memref<1x128xf32, #tpu.memory_space<vmem>>, vector<1x128xf32>
    %add3A_45 = vector.broadcast %get3A_44 : vector<1x128xf32> to vector<1000x128xf32>
    %add3A_46 = arith.addf %mul3A_41, %add3A_45 : vector<1000x128xf32>
    %get3A_47 = arith.constant 0 : index
    %get3A_48 = arith.constant 0 : index
    %get3A_49 = vector.load %arg7[%get3A_47, %get3A_48] : memref<1000x128xf32, #tpu.memory_space<vmem>>, vector<1000x128xf32>
    %exp3A = math.exp %add3A_46 : vector<1000x128xf32>
    %mul3A_50 = arith.mulf %get3A_49, %exp3A : vector<1000x128xf32>
    %add3A_51 = arith.addf %add3A_39, %mul3A_50 : vector<1000x128xf32>
    %swap3A = arith.constant 0 : index
    %swap3A_52 = arith.constant 0 : index
    %swap3A_53 = vector.load %arg8[%swap3A, %swap3A_52] : memref<1000x128xf32, #tpu.memory_space<vmem>>, vector<1000x128xf32>
    tpu.vector_store %arg8[%swap3A, %swap3A_52], %add3A_51 {strides = array<i32>} : memref<1000x128xf32, #tpu.memory_space<vmem>>, vector<1000x128xf32>,
    return
  }
  func.func @transform_0(%arg0: i32) -> (i32, i32, i32) {
    %c0_i32 = arith.constant 0 : i32
    %c0_i32_0 = arith.constant 0 : i32
    %c0_i32_1 = arith.constant 0 : i32
    return %c0_i32, %arg0, %c0_i32_0 : i32, i32, i32
  }
  func.func @transform_1(%arg0: i32) -> (i32, i32) {
    %c0_i32 = arith.constant 0 : i32
    %c0_i32_0 = arith.constant 0 : i32
    %c0_i32_1 = arith.constant 0 : i32
    return %c0_i32, %c0_i32_0 : i32, i32
  }
  func.func @transform_2(%arg0: i32) -> (i32, i32) {
    %c0_i32 = arith.constant 0 : i32
    %c0_i32_0 = arith.constant 0 : i32
    %c0_i32_1 = arith.constant 0 : i32
    return %c0_i32, %c0_i32_0 : i32, i32
  }
  func.func @transform_3(%arg0: i32) -> (i32, i32) {
    %c0_i32 = arith.constant 0 : i32
    %c0_i32_0 = arith.constant 0 : i32
    %c0_i32_1 = arith.constant 0 : i32
    return %c0_i32, %c0_i32_0 : i32, i32
  }
  func.func @transform_4(%arg0: i32) -> (i32, i32) {
    %c0_i32 = arith.constant 0 : i32
    %c0_i32_0 = arith.constant 0 : i32
    %c0_i32_1 = arith.constant 0 : i32
    return %c0_i32, %c0_i32_0 : i32, i32
  }
  func.func @transform_5(%arg0: i32) -> (i32, i32) {
    %c0_i32 = arith.constant 0 : i32
    %c0_i32_0 = arith.constant 0 : i32
    return %arg0, %c0_i32 : i32, i32
  }
  func.func @transform_6(%arg0: i32) -> (i32, i32) {
    %c0_i32 = arith.constant 0 : i32
    %c0_i32_0 = arith.constant 0 : i32
    return %arg0, %c0_i32 : i32, i32
  }
  func.func @transform_7(%arg0: i32) -> (i32, i32) {
    %c0_i32 = arith.constant 0 : i32
    %c0_i32_0 = arith.constant 0 : i32
    return %arg0, %c0_i32 : i32, i32
  }
}

</mosaic_0001>

<sc_bundles>
// kernel: kernel.11.cloned.1.call-start
scs
__scs_entry_jumppad:
0x0: {  	(pc) =	sbr.rel $0x88, $3  }
0x1: {  	(tag) =	ssettag $0x0;
	lr =	simm.s32 $0x1  }
0x2: {  	[smem:$0x3F98] =	sst lr;
	_ =	strace $0xD0000000  }
0x3: {  	_ = 	snop  }
0x4: {  	_ = 	snop  }
0x5: {  	_ = 	snop  }
0x6: {  	_ = 	snop  }
0x7: {  	_ = 	snop  }
__scs_overlays_trampoline_lowered:
0x8: {  	[smem:$0x3FA7] =	sst s0  }
0x9: {  	[smem:$0x3FA8] =	sst s1  }
0xa: {  	[smem:$0x3FA9] =	sst s2  }
0xb: {  	[smem:$0x3FAA] =	sst s3  }
0xc: {  	[smem:$0x3FAB] =	sst s4  }
0xd: {  	[smem:$0x3FAC] =	sst s5  }
0xe: {  	[smem:$0x3FAD] =	sst s6  }
0xf: {  	[smem:$0x3FAE] =	sst s7  }
0x10: {  	[smem:$0x3FAF] =	sst s8  }
0x11: {  	[smem:$0x3FB0] =	sst s9;
	s0 =	simm.s32 @!p0 $0x0  }
0x12: {  	s1 =	sld [smem:$0x3F96];
	s0 =	simm.s32 @p0 $0x1  }
0x13: {  	[smem:$0x3FB1] =	sst s0;
	s0 =	simm.s32 @!p1 $0x0  }
0x14: {  	s2 =	sld [smem:$0x3F95];
	s0 =	simm.s32 @p1 $0x1  }
0x15: {  	[smem:$0x3FB2] =	sst s0;
	s0 =	simm.s32 @!p2 $0x0  }
0x16: {  	s3 =	sld [smem:$0x3FDB];
	s0 =	simm.s32 @p2 $0x1  }
0x17: {  	s4 =	simm.s32 $0x1BF5;
	[smem:$0x3FB4] =	sst s0  }
0x18: {  	s0 =	sld [smem:$0x3F97];
	_ =	swait.ge [sflag:s4], $0x0  }
0x19: {  	s7 =	sld [smem:$0x3F98]  }
0x1a: {  	s8 =	sadd.s32 $0xFFFFE003, lr  }
0x1b: {  	s9 =	sadd.s32 $0xFFFFFEF7, lr;
	s5 =	simm.s32 $0xFFFFFFFF;
	p2 =	slt.u32 s8, $0xFFFFF086  }
0x1c: {  	p1 =	slt.u32 s9, $0xF7A;
	s5 =	simm.s32 @!p2 $0x0  }
0x1d: {  	s5 =	simm.s32 @p1 $0x1;
	p0 =	seq.s32 s7, s2  }
0x1e: {  	s7 =	smul.u32 @!p0 $0xF7A, s2;
	p2 =	seq.s32 @!p0 s5, $0x0  }
0x1f: {  	s9 =	smul.u32 $0xF7A, s1;
	s8 =	simm.s32 @!p0 $0x1BF5;
	p2 =	por !p2, p0  }
0x20: {  	[sflag:s8] =	ssyncset.s32 @!p0 $0xFFFFF086;
	s6 =	sadd.s32 @!p0 s3, s7;
	s7 =	simm.s32 @!p0 $0x108  }
0x21: {  	s3 =	sadd.s32 s3, s9;
	s6 =	sadd.s32 @!p0 $0x88, s6;
	s7 =	simm.s32 @p2 $0x1082  }
0x22: {  	[simem:s7], [sflag:s8] =	dma.local @!p0 [hbm:s6], $0xF7A  }
0x23: {  	s9 =	sor.u32 $0xD0000000, s2;
	s6 =	simm.s32 $0x108;
	_ =	swait.ge @!p0 [sflag:s8], $0x0  }
0x24: {  	s3 =	sadd.s32 $0x88, s3;
	s6 =	simm.s32 @!p1 $0x1082;
	[sflag:s4] =	ssyncset.s32 $0xFFFFF086  }
0x25: {  	[simem:s6], [sflag:s4] =	dma.local [hbm:s3], $0xF7A  }
0x26: {  	[smem:$0x3F98] =	sst s1;
	(tag) =	ssettag s2;
	_ =	strace s9  }
0x27: {  	s1 =	sld [smem:$0x3FA8]  }
0x28: {  	s2 =	sld [smem:$0x3FA9]  }
0x29: {  	s4 =	sld [smem:$0x3FAB]  }
0x2a: {  	p0 =	seq.s32 s5, $0x0;
	s5 =	sld [smem:$0x3FAC]  }
0x2b: {  	s6 =	sld [smem:$0x3FAD]  }
0x2c: {  	s7 =	sld [smem:$0x3FAE]  }
0x2d: {  	s3 =	simm.s32 $0x108;
	s8 =	sld [smem:$0x3FAF]  }
0x2e: {  	s3 =	simm.s32 @!p0 $0x1082;
	s9 =	sld [smem:$0x3FB0]  }
0x2f: {  	lr =	sadd.s32 s0, s3;
	s0 =	sld [smem:$0x3FA7]  }
0x30: {  	s3 =	sld [smem:$0x3FAA]  }
0x31: {  	[smem:$0x3FB3] =	sst s10  }
0x32: {  	s10 =	sld [smem:$0x3FB1];
	_ =	sdelay $0x3  }
0x33: {  	p0 =	seq.s32 s10, $0x1;
	s10 =	sld [smem:$0x3FB3];
	_ =	sdelay $0x3  }
0x34: {  	[smem:$0x3FB3] =	sst s10  }
0x35: {  	s10 =	sld [smem:$0x3FB2];
	_ =	sdelay $0x3  }
0x36: {  	p1 =	seq.s32 s10, $0x1;
	s10 =	sld [smem:$0x3FB3];
	_ =	sdelay $0x3  }
0x37: {  	[smem:$0x3FB3] =	sst s10  }
0x38: {  	s10 =	sld [smem:$0x3FB4]  }
0x39: {  	_ = 	snop;
	(pc) =	sbr.ind lr, $3  }
0x3a: {  	_ = 	snop  }
0x3b: {  	_ = 	snop  }
0x3c: {  	p2 =	seq.s32 s10, $0x1;
	s10 =	sld [smem:$0x3FB3]  }
0x3d: {  	_ =	shalt  }
0x3e: {  	_ =	shalt  }
0x3f: {  	_ =	shalt  }
0x40: {  	_ =	shalt  }
0x41: {  	_ =	shalt  }
0x42: {  	_ =	shalt  }
0x43: {  	_ =	shalt  }
0x44: {  	_ =	shalt  }
0x45: {  	_ =	shalt  }
0x46: {  	_ =	shalt  }
0x47: {  	_ =	shalt  }
0x48: {  	_ =	shalt  }
0x49: {  	_ =	shalt  }
0x4a: {  	_ =	shalt  }
0x4b: {  	_ =	shalt  }
0x4c: {  	_ =	shalt  }
0x4d: {  	_ =	shalt  }
0x4e: {  	_ =	shalt  }
0x4f: {  	_ =	shalt  }
0x50: {  	_ =	shalt  }
0x51: {  	_ =	shalt  }
0x52: {  	_ =	shalt  }
0x53: {  	_ =	shalt  }
0x54: {  	_ =	shalt  }
0x55: {  	_ =	shalt  }
0x56: {  	_ =	shalt  }
0x57: {  	_ =	shalt  }
0x58: {  	_ =	shalt  }
0x59: {  	_ =	shalt  }
0x5a: {  	_ =	shalt  }
0x5b: {  	_ =	shalt  }
0x5c: {  	_ =	shalt  }
0x5d: {  	_ =	shalt  }
0x5e: {  	_ =	shalt  }
0x5f: {  	_ =	shalt  }
0x60: {  	_ =	shalt  }
0x61: {  	_ =	shalt  }
0x62: {  	_ =	shalt  }
0x63: {  	_ =	shalt  }
0x64: {  	_ =	shalt  }
0x65: {  	_ =	shalt  }
0x66: {  	_ =	shalt  }
0x67: {  	_ =	shalt  }
0x68: {  	_ =	shalt  }
0x69: {  	_ =	shalt  }
0x6a: {  	_ =	shalt  }
0x6b: {  	_ =	shalt  }
0x6c: {  	_ =	shalt  }
0x6d: {  	_ =	shalt  }
0x6e: {  	_ =	shalt  }
0x6f: {  	_ =	shalt  }
0x70: {  	_ =	shalt  }
0x71: {  	_ =	shalt  }
0x72: {  	_ =	shalt  }
0x73: {  	_ =	shalt  }
0x74: {  	_ =	shalt  }
0x75: {  	_ =	shalt  }
0x76: {  	_ =	shalt  }
0x77: {  	_ =	shalt  }
0x78: {  	_ =	shalt  }
0x79: {  	_ =	shalt  }
0x7a: {  	_ =	shalt  }
0x7b: {  	_ =	shalt  }
0x7c: {  	_ =	shalt  }
0x7d: {  	_ =	shalt  }
0x7e: {  	_ =	shalt  }
0x7f: {  	_ =	shalt  }
0x80: {  	_ =	shalt  }
0x81: {  	_ =	shalt  }
0x82: {  	_ =	shalt  }
0x83: {  	_ =	shalt  }
0x84: {  	_ =	shalt  }
0x85: {  	_ =	shalt  }
0x86: {  	_ =	shalt  }
0x87: {  	_ =	shalt  }
.Lfunc_end0:
.L_simem_size_0:
called_computation.1_lowered:
.L_overlay_start_0:
0x88: {  	s2 =	sld [smem:$0x3FD9]  }
0x89: {  	s3 =	sld [smem:$0x3FFE];
	_ =	sdelay $0x1  }
0x8a: {  	s1 =	srdreg.scid  }
0x8b: {  	s0 =	sand.u32 $0x1, s1  }
0x8c: {  	s17 =	sshll.u32 s0, $0xA;
	s2 =	sadd.s32 s3, s2  }
0x8d: {  	s2 =	sadd.s32 s2, s17  }
0x8e: {  	[smem:$0x3FBF] =	sst s2  }
0x8f: {  	_ = 	snop  }
0x90: {  	s2 =	sld [smem:$0x3FD0];
	(tm) =	ssettm $0x1  }
0x91: {  	s18 =	sld [smem:$0x3FFB];
	_ =	sdelay $0x3  }
0x92: {  	_ =	strace s18  }
0x93: {  	s3 =	sld [smem:$0x3FFC];
	_ =	sdelay $0x3  }
0x94: {  	_ =	strace s3  }
0x95: {  	s3 =	sld [smem:$0x3FFD];
	_ =	sdelay $0x3  }
0x96: {  	_ =	strace s3  }
0x97: {  	_ =	strace $0x8FFFFFFF  }
0x98: {  	s19 =	sld [smem:$0x3FDB];
	_ =	sdelay $0x1  }
0x99: {  	s4 =	simm.s32 $_scs_section_size  }
0x9a: {  	s5 =	simm.s32 $_size__tile_overlayer_lowered;
	s6 =	simm.s32 $_tile_overlayer_lowered  }
0x9b: {  	s22 =	simm.s32 $0x1BFF;
	s21 =	sshll.u32 s6, $0x1;
	s3 =	sadd.s32 s4, s19  }
0x9c: {  	s7 =	simm.s32 $0x0;
	s20 =	sshll.u32 s5, $0x1;
	s5 =	sadd.s32 s21, s3  }
0x9d: {  	[timem:s7], [sflag:s22] =	dma.local [hbm:s5], s20  }
0x9e: {  	_ =	swait.ge [sflag:s22], s20  }
0x9f: {  	s4 =	ssub.s32 $0x0, s20;
	[sflag:s22] =	ssyncset.done $0x0  }
0xa0: {  	[sflag:s22] =	ssyncadd.s32 s4;
	_ =	sdelay $0x1  }
0xa1: {  	s23 =	simm.s32 $0x1B8B  }
0xa2: {  	_ =	swait.ge [sflag:s23], $0x1  }
0xa3: {  	[sflag:s23] =	ssyncset.done $0x0  }
0xa4: {  	s25 =	simm.s32 $0x1B8E;
	s24 =	sld [smem:$0x3FFE];
	[sflag:s23] =	ssyncadd.s32 $0xFFFFFFFF  }
0xa5: {  	s26 =	simm.s32 $execute0_lowered;
	[smem:$0x3FD2] =	sst s25  }
0xa6: {  	s5 =	sshll.u32 s26, $0x1;
	_ =	strace $0x80000049;
	[dreg:$0x1] =	wrdreg $0xFFFFFFFF  }
0xa7: {  	s28 =	simm.s32 $_size_execute0_lowered;
	s3 =	sadd.s32 s3, s5;
	[dreg:$0x0] =	wrdreg $0x0  }
0xa8: {  	s5 =	sshll.u32 s28, $0x1;
	[dreg:$0x2] =	wrdreg s3  }
0xa9: {  	[dreg:$0x3] =	wrdreg s5  }
0xaa: {  	[dreg:$0x4] =	wrdreg $0xC0  }
0xab: {  	_ =	task [dreg:s7], $0x5FFFF  }
0xac: {  	[dreg:$0x1] =	wrdreg $0xFFFFFFFF  }
0xad: {  	[dreg:$0x0] =	wrdreg $0x60  }
0xae: {  	[dreg:$0x2] =	wrdreg s24  }
0xaf: {  	[dreg:$0x3] =	wrdreg s2  }
0xb0: {  	[dreg:$0x4] =	wrdreg $0x82000  }
0xb1: {  	[dreg:$0x5] =	wrdreg $0x9  }
0xb2: {  	_ =	task.clear_ibuf [dreg:s7], $0x6FFFF;
	_ =	strace $0x90000049  }
0xb3: {  	s29 =	simm.s32 $0x9;
	_ =	strace $0x8000004B  }
0xb4: {  	_ =	swait.ge [sflag:s29], $0x1  }
0xb5: {  	[sflag:s29] =	ssyncadd.s32 $0xFFFFFFFF  }
0xb6: {  	_ =	strace $0x9000004B  }
0xb7: {  	_ =	sfence  }
0xb8: {  	s30 =	sld [smem:$0x0];
	_ =	sdelay $0x2  }
0xb9: {  	s31 =	sshll.u32 s1, $0xD;
	s1 =	sshrl.u32 s1, $0x2  }
0xba: {  	s3 =	sand.u32 $0x4000, s31;
	s1 =	sadd.s32 s1, s30  }
0xbb: {  	s0 =	sor.u32 s3, s0;
	s1 =	sshll.u32 s1, $0x11  }
0xbc: {  	s0 =	sor.u32 s1, s0  }
0xbd: {  	s0 =	sadd.s32 $0x8F2B, s0  }
0xbe: {  	[sflag:s0] =	ssyncadd.remote.s32 $0x1  }
0xbf: {  	_ =	sfence.sel $0xFFFF  }
0xc0: {  	[dreg:$0x0] =	wrdreg $0xFFFFFFFF;
	(pc) =	sbr.abs _section_cstart, $3  }
0xc1: {  	[dreg:$0x1] =	wrdreg $0xFFFFFFFF  }
0xc2: {  	_ =	task.clear_ibuf [dreg:s7], $0x2FFFF;
	_ =	strace $0x9FFFFFFF  }
0xc3: {  	(tm) =	ssettm $0x7FFFFFFF  }
tec
execute0_lowered:
.L_overlay_start_1:
0x0: {  	(tag) =	ssettag $0x1  }
0x1: {  	s5 =	rddreg [dreg:$0x0]  }
0x2: {  	s1 =	rddreg [dreg:$0x1]  }
0x3: {  	s0 =	srdreg.scid;
	s2 =	rddreg [dreg:$0x2];
	s4 =	simm.s32 $0x0  }
0x4: {  	s3 =	stileid.u32;
	s17 =	simm.s32 $0x80;
	s18 =	simm.s32 $0x200  }
0x5: {  	s19 =	simm.s32 $0x100;
	s20 =	simm.s32 $0x180;
	s9 =	smul.u32 $0x14000, s3  }
0x6: {  	s21 =	simm.s32 $0x4200;
	s22 =	simm.s32 $0x1;
	s25 =	smul.u32 $0x50000, s3  }
0x7: {  	s6 =	sand.u32 $0x1, s0;
	s0 =	rddreg [dreg:$0x3];
	s29 =	smul.u32 $0x2800, s3  }
0x8: {  	s23 =	simm.s32 $0x2;
	[smem:$0x7FF] =	sst s4;
	s16 =	smul.u32 $0x500, s3  }
0x9: {  	s14 =	sadd.s32 $0x2400, s5;
	s13 =	sadd.s32 $0x7400, s5;
	s7 =	smul.u32 $0x27100, s6  }
0xa: {  	s31 =	sshll.u32 s3, $0x6;
	s8 =	smul.u32 $0x140000, s6;
	s6 =	ssub.s32 $0x2, s6  }
0xb: {  	_ =	strace $0x8000004A;
	s28 =	sshrl.u32 s6, $0x1;
	s30 =	sshrl.u32 s25, $0x2  }
0xc: {  	s12 =	sshrl.u32 s29, $0x3;
	s10 =	sadd.s32 s7, s5;
	s24 =	sadd.s32 s9, s8  }
0xd: {  	s11 =	ssub.s32 s6, s28;
	s15 =	sadd.s32 s30, s2;
	s6 =	sadd.s32 s14, s12  }
0xe: {  	s7 =	sshrl.u32 s24, $0x3;
	s8 =	sadd.s32 $0xC400, s10;
	s10 =	smax.u32 s11, $0x1  }
0xf: {  	s15 =	sshrl.u32 s15, $0x3;
	s24 =	simm.s32 $0x0;
	s26 =	sadd.s32 s7, s5  }
0x10: {  	s5 =	sor.u32 $0x1C03, s31;
	s7 =	sadd.s32 s13, s12;
	s12 =	sadd.s32 $0x4F0, s12  }
0x11: {  	s9 =	sadd.s32 $0x5A600, s26;
	s11 =	sadd.s32 s14, s12;
	s12 =	sadd.s32 s13, s12  }
0x12: {  	s13 =	sadd.s32 s16, s13;
	s14 =	sadd.s32 s16, s14;
	s16 =	simm.s32 $0x3  }
.LBB2_1:
0x13: {  	[spmem:s15], [sflag:s5] =	dma.local [hbm:s1], $0x2800  }
0x14: {  	_ =	swait.ge [sflag:s16], $0x2800  }
0x15: {  	[sflag:s16] =	ssyncset.done $0x0  }
0x16: {  	[sflag:s16] =	ssyncadd.s32 $0xFFFFD800  }
0x17: {  	[bflag:$0x0] =	sbarrier.arrive $0xFFFF  }
0x18: {  	[tilespmem:s4], [sflag:$0x3] =	stream.linear.gather [hbm4b:s6+s4], $0x80, $0x38;
	[tilespmem:$0x1C200] =	vst v63  }
0x19: {  	_ =	swait.ge [sflag:s16], $0x80  }
0x1a: {  	[sflag:s16] =	ssyncset.done $0x0  }
0x1b: {  	[sflag:s16] =	ssyncadd.s32 $0xFFFFFF80  }
0x1c: {  	[tilespmem:s17], [sflag:$0x3] =	stream.linear.gather [hbm4b:s7+s4], $0x80, $0x38;
	[tilespmem:$0x1C200] =	vst v63  }
0x1d: {  	_ =	swait.ge [sflag:s16], $0x80  }
0x1e: {  	[sflag:s16] =	ssyncset.done $0x0  }
0x1f: {  	s25 =	sadd.s32 $0xFFFFFB20, s14;
	[sflag:s16] =	ssyncadd.s32 $0xFFFFFF80  }
0x20: {  	[tilespmem:s18], [sflag:$0x1] =	stream.indirect.gather [hbm4b:s8+s17], $0x80, s4, s17, $0xb8;
	[tilespmem:$0x1C200] =	vst v63  }
0x21: {  	s26 =	sadd.s32 $0x4F0, s25  }
0x22: {  	[tilespmem:s19], [sflag:$0x3] =	stream.linear.gather [hbm4b:s26+s4], $0x80, $0x38;
	[tilespmem:$0x1C200] =	vst v63  }
0x23: {  	_ =	swait.ge [sflag:s16], $0x80  }
0x24: {  	s30 =	sadd.s32 $0xFFFFFB20, s13;
	[sflag:s16] =	ssyncset.done $0x0  }
0x25: {  	s28 =	sadd.s32 $0x4F0, s30;
	[sflag:s16] =	ssyncadd.s32 $0xFFFFFF80  }
0x26: {  	[tilespmem:s20], [sflag:$0x3] =	stream.linear.gather [hbm4b:s28+s4], $0x80, $0x38;
	[tilespmem:$0x1C200] =	vst v63  }
0x27: {  	_ =	swait.ge [sflag:s16], $0x80  }
0x28: {  	[sflag:s16] =	ssyncset.done $0x0  }
0x29: {  	[sflag:s16] =	ssyncadd.s32 $0xFFFFFF80  }
0x2a: {  	[tilespmem:s21], [sflag:$0x2] =	stream.indirect.gather [hbm4b:s8+s17], $0x80, s19, s17, $0xb8;
	[tilespmem:$0x1C200] =	vst v63  }
0x2b: {  	_ =	swait.ge [sflag:s22], $0x4000  }
0x2c: {  	[sflag:s22] =	ssyncset.done $0x0  }
0x2d: {  	[sflag:s22] =	ssyncadd.s32 $0xFFFFC000  }
0x2e: {  	[spmem:s2] =	stream.indirect.scatter.add.f32 [tilespmem:s18], [sflag:$0x3], $0x80, s17, s17, $0xb8;
	[tilespmem:$0x1C200] =	vst v63  }
0x2f: {  	_ =	swait.ge [sflag:s16], $0x4000  }
0x30: {  	[sflag:s16] =	ssyncset.done $0x0  }
0x31: {  	s25 =	sadd.s32 $0x500, s25;
	[sflag:s16] =	ssyncadd.s32 $0xFFFFC000  }
0x32: {  	[tilespmem:s4], [sflag:$0x3] =	stream.linear.gather [hbm4b:s25+s4], $0x80, $0x38;
	[tilespmem:$0x1C200] =	vst v63  }
0x33: {  	_ =	swait.ge [sflag:s16], $0x80  }
0x34: {  	[sflag:s16] =	ssyncset.done $0x0  }
0x35: {  	s31 =	sadd.s32 $0x500, s30;
	[sflag:s16] =	ssyncadd.s32 $0xFFFFFF80  }
0x36: {  	[tilespmem:s17], [sflag:$0x3] =	stream.linear.gather [hbm4b:s31+s4], $0x80, $0x38;
	[tilespmem:$0x1C200] =	vst v63  }
0x37: {  	_ =	swait.ge [sflag:s16], $0x80  }
0x38: {  	[sflag:s16] =	ssyncset.done $0x0  }
0x39: {  	[sflag:s16] =	ssyncadd.s32 $0xFFFFFF80  }
0x3a: {  	[tilespmem:s18], [sflag:$0x1] =	stream.indirect.gather [hbm4b:s8+s17], $0x80, s4, s17, $0xb8;
	[tilespmem:$0x1C200] =	vst v63  }
0x3b: {  	_ =	swait.ge [sflag:s23], $0x4000  }
0x3c: {  	[sflag:s23] =	ssyncset.done $0x0  }
0x3d: {  	[sflag:s23] =	ssyncadd.s32 $0xFFFFC000  }
0x3e: {  	[spmem:s2] =	stream.indirect.scatter.add.f32 [tilespmem:s21], [sflag:$0x3], $0x80, s20, s17, $0xb8;
	[tilespmem:$0x1C200] =	vst v63  }
0x3f: {  	s29 =	simm.s32 $0xFFFFFB60;
	_ =	swait.ge [sflag:s16], $0x4000  }
0x40: {  	s28 =	sadd.s32 $0xFFFFFB40, s14;
	s25 =	simm.s32 $0xFFFFFB40;
	[sflag:s16] =	ssyncset.done $0x0  }
.LBB2_2:
0x41: {  	s30 =	sadd.s32 $0x4F0, s28  }
0x42: {  	[sflag:s16] =	ssyncadd.s32 $0xFFFFC000;
	s31 =	smov.u32 s29;
	s26 =	sadd.s32 $0x20, s29  }
0x43: {  	[tilespmem:s19], [sflag:$0x3] =	stream.linear.gather [hbm4b:s30+s4], $0x80, $0x38;
	[tilespmem:$0x1C200] =	vst v63  }
0x44: {  	p0 =	sne.s32 s29, $0xFFFFFFE0;
	_ =	swait.ge [sflag:s16], $0x80  }
0x45: {  	s29 =	sadd.s32 s25, s13;
	s25 =	smov.u32 s31;
	[sflag:s16] =	ssyncset.done $0x0  }
0x46: {  	s30 =	sadd.s32 $0x4F0, s29;
	[sflag:s16] =	ssyncadd.s32 $0xFFFFFF80  }
0x47: {  	[tilespmem:s20], [sflag:$0x3] =	stream.linear.gather [hbm4b:s30+s4], $0x80, $0x38;
	[tilespmem:$0x1C200] =	vst v63  }
0x48: {  	_ =	swait.ge [sflag:s16], $0x80  }
0x49: {  	[sflag:s16] =	ssyncset.done $0x0  }
0x4a: {  	[sflag:s16] =	ssyncadd.s32 $0xFFFFFF80  }
0x4b: {  	[tilespmem:s21], [sflag:$0x2] =	stream.indirect.gather [hbm4b:s8+s17], $0x80, s19, s17, $0xb8;
	[tilespmem:$0x1C200] =	vst v63  }
0x4c: {  	_ =	swait.ge [sflag:s22], $0x4000  }
0x4d: {  	[sflag:s22] =	ssyncset.done $0x0  }
0x4e: {  	[sflag:s22] =	ssyncadd.s32 $0xFFFFC000  }
0x4f: {  	[spmem:s2] =	stream.indirect.scatter.add.f32 [tilespmem:s18], [sflag:$0x3], $0x80, s17, s17, $0xb8;
	[tilespmem:$0x1C200] =	vst v63  }
0x50: {  	_ =	swait.ge [sflag:s16], $0x4000  }
0x51: {  	[sflag:s16] =	ssyncset.done $0x0  }
0x52: {  	s28 =	sadd.s32 $0x500, s28;
	[sflag:s16] =	ssyncadd.s32 $0xFFFFC000  }
0x53: {  	[tilespmem:s4], [sflag:$0x3] =	stream.linear.gather [hbm4b:s28+s4], $0x80, $0x38;
	[tilespmem:$0x1C200] =	vst v63  }
0x54: {  	_ =	swait.ge [sflag:s16], $0x80  }
0x55: {  	[sflag:s16] =	ssyncset.done $0x0  }
0x56: {  	s28 =	sadd.s32 $0x500, s29;
	[sflag:s16] =	ssyncadd.s32 $0xFFFFFF80  }
0x57: {  	[tilespmem:s17], [sflag:$0x3] =	stream.linear.gather [hbm4b:s28+s4], $0x80, $0x38;
	[tilespmem:$0x1C200] =	vst v63  }
0x58: {  	_ =	swait.ge [sflag:s16], $0x80  }
0x59: {  	[sflag:s16] =	ssyncset.done $0x0  }
0x5a: {  	[sflag:s16] =	ssyncadd.s32 $0xFFFFFF80  }
0x5b: {  	[tilespmem:s18], [sflag:$0x1] =	stream.indirect.gather [hbm4b:s8+s17], $0x80, s4, s17, $0xb8;
	[tilespmem:$0x1C200] =	vst v63  }
0x5c: {  	_ =	swait.ge [sflag:s23], $0x4000  }
.Ltmp0:
0x5d: {  	[sflag:s23] =	ssyncset.done $0x0;
	(pc) =	sbr.rel @p0 .LBB2_2-.Ltmp0, $4  }
0x5e: {  	[sflag:s23] =	ssyncadd.s32 $0xFFFFC000  }
0x5f: {  	[spmem:s2] =	stream.indirect.scatter.add.f32 [tilespmem:s21], [sflag:$0x3], $0x80, s20, s17, $0xb8;
	[tilespmem:$0x1C200] =	vst v63  }
0x60: {  	_ =	swait.ge [sflag:s16], $0x4000  }
0x61: {  	s29 =	smov.u32 s26;
	s28 =	sadd.s32 s25, s14;
	[sflag:s16] =	ssyncset.done $0x0  }
0x62: {  	s26 =	sadd.s32 $0x4F0, s28;
	[sflag:s16] =	ssyncadd.s32 $0xFFFFC000  }
0x63: {  	[tilespmem:s19], [sflag:$0x3] =	stream.linear.gather [hbm4b:s26+s4], $0x80, $0x38;
	[tilespmem:$0x1C200] =	vst v63  }
0x64: {  	_ =	swait.ge [sflag:s16], $0x80  }
0x65: {  	s25 =	sadd.s32 s25, s13;
	[sflag:s16] =	ssyncset.done $0x0  }
0x66: {  	s30 =	sadd.s32 $0x4F0, s25;
	[sflag:s16] =	ssyncadd.s32 $0xFFFFFF80  }
0x67: {  	[tilespmem:s20], [sflag:$0x3] =	stream.linear.gather [hbm4b:s30+s4], $0x80, $0x38;
	[tilespmem:$0x1C200] =	vst v63  }
0x68: {  	_ =	swait.ge [sflag:s16], $0x80  }
0x69: {  	[sflag:s16] =	ssyncset.done $0x0  }
0x6a: {  	[sflag:s16] =	ssyncadd.s32 $0xFFFFFF80  }
0x6b: {  	[tilespmem:s21], [sflag:$0x2] =	stream.indirect.gather [hbm4b:s8+s17], $0x80, s19, s17, $0xb8;
	[tilespmem:$0x1C200] =	vst v63  }
0x6c: {  	_ =	swait.ge [sflag:s22], $0x4000  }
0x6d: {  	[sflag:s22] =	ssyncset.done $0x0  }
0x6e: {  	[sflag:s22] =	ssyncadd.s32 $0xFFFFC000  }
0x6f: {  	[spmem:s2] =	stream.indirect.scatter.add.f32 [tilespmem:s18], [sflag:$0x3], $0x80, s17, s17, $0xb8;
	[tilespmem:$0x1C200] =	vst v63  }
0x70: {  	_ =	swait.ge [sflag:s16], $0x4000  }
0x71: {  	[sflag:s16] =	ssyncset.done $0x0  }
0x72: {  	s31 =	sadd.s32 $0x500, s28;
	[sflag:s16] =	ssyncadd.s32 $0xFFFFC000  }
0x73: {  	[tilespmem:s4], [sflag:$0x3] =	stream.linear.gather [hbm4b:s31+s4], $0x80, $0x38;
	[tilespmem:$0x1C200] =	vst v63  }
0x74: {  	_ =	swait.ge [sflag:s16], $0x80  }
0x75: {  	[sflag:s16] =	ssyncset.done $0x0  }
0x76: {  	s25 =	sadd.s32 $0x500, s25;
	[sflag:s16] =	ssyncadd.s32 $0xFFFFFF80  }
0x77: {  	[tilespmem:s17], [sflag:$0x3] =	stream.linear.gather [hbm4b:s25+s4], $0x80, $0x38;
	[tilespmem:$0x1C200] =	vst v63  }
0x78: {  	_ =	swait.ge [sflag:s16], $0x80  }
0x79: {  	[sflag:s16] =	ssyncset.done $0x0  }
0x7a: {  	[sflag:s16] =	ssyncadd.s32 $0xFFFFFF80  }
0x7b: {  	[tilespmem:s18], [sflag:$0x1] =	stream.indirect.gather [hbm4b:s8+s17], $0x80, s4, s17, $0xb8;
	[tilespmem:$0x1C200] =	vst v63  }
0x7c: {  	_ =	swait.ge [sflag:s23], $0x4000  }
0x7d: {  	[sflag:s23] =	ssyncset.done $0x0  }
0x7e: {  	[sflag:s23] =	ssyncadd.s32 $0xFFFFC000  }
0x7f: {  	[spmem:s2] =	stream.indirect.scatter.add.f32 [tilespmem:s21], [sflag:$0x3], $0x80, s20, s17, $0xb8;
	[tilespmem:$0x1C200] =	vst v63  }
0x80: {  	_ =	swait.ge [sflag:s16], $0x4000  }
0x81: {  	[sflag:s16] =	ssyncset.done $0x0  }
0x82: {  	[sflag:s16] =	ssyncadd.s32 $0xFFFFC000  }
0x83: {  	[tilespmem:s19], [sflag:$0x3] =	stream.linear.gather [hbm4b:s11+s4], $0x80, $0x38;
	[tilespmem:$0x1C200] =	vst v63  }
0x84: {  	_ =	swait.ge [sflag:s16], $0x80  }
0x85: {  	[sflag:s16] =	ssyncset.done $0x0  }
0x86: {  	[sflag:s16] =	ssyncadd.s32 $0xFFFFFF80  }
0x87: {  	[tilespmem:s20], [sflag:$0x3] =	stream.linear.gather [hbm4b:s12+s4], $0x80, $0x38;
	[tilespmem:$0x1C200] =	vst v63  }
0x88: {  	_ =	swait.ge [sflag:s16], $0x80  }
0x89: {  	[sflag:s16] =	ssyncset.done $0x0  }
0x8a: {  	[sflag:s16] =	ssyncadd.s32 $0xFFFFFF80  }
0x8b: {  	[tilespmem:s21], [sflag:$0x2] =	stream.indirect.gather [hbm4b:s8+s17], $0x80, s19, s17, $0xb8;
	[tilespmem:$0x1C200] =	vst v63  }
0x8c: {  	_ =	swait.ge [sflag:s22], $0x4000  }
0x8d: {  	[sflag:s22] =	ssyncset.done $0x0  }
0x8e: {  	[sflag:s22] =	ssyncadd.s32 $0xFFFFC000  }
0x8f: {  	[spmem:s2] =	stream.indirect.scatter.add.f32 [tilespmem:s18], [sflag:$0x3], $0x80, s17, s17, $0xb8;
	[tilespmem:$0x1C200] =	vst v63  }
0x90: {  	_ =	swait.ge [sflag:s16], $0x4000  }
0x91: {  	[sflag:s16] =	ssyncset.done $0x0  }
0x92: {  	[sflag:s16] =	ssyncadd.s32 $0xFFFFC000  }
0x93: {  	_ =	swait.ge [sflag:s23], $0x4000  }
0x94: {  	[sflag:s23] =	ssyncset.done $0x0  }
0x95: {  	[sflag:s23] =	ssyncadd.s32 $0xFFFFC000  }
0x96: {  	[spmem:s2] =	stream.indirect.scatter.add.f32 [tilespmem:s21], [sflag:$0x3], $0x80, s20, s17, $0xb8;
	[tilespmem:$0x1C200] =	vst v63  }
0x97: {  	_ =	swait.ge [sflag:s16], $0x4000  }
0x98: {  	s24 =	sadd.s32 $0x1, s24;
	[sflag:s16] =	ssyncset.done $0x0  }
0x99: {  	p0 =	sne.s32 s24, s10;
	[sflag:s16] =	ssyncadd.s32 $0xFFFFC000  }
.Ltmp1:
0x9a: {  	[bflag:$0x0] =	sbarrier.arrive $0xFFFF;
	(pc) =	sbr.rel @p0 .LBB2_1-.Ltmp1, $4  }
0x9b: {  	[hbm:s9], [sflag:s5] =	dma.local [spmem:s15], $0x2800  }
0x9c: {  	_ =	swait.ge [sflag:s16], $0x2800  }
0x9d: {  	[sflag:s16] =	ssyncset.done $0x0  }
0x9e: {  	[sflag:s16] =	ssyncadd.s32 $0xFFFFD800  }
0x9f: {  	_ =	sfence.sel $0x180000  }
0xa0: {  	[bflag:$0x0] =	sbarrier.arrive $0xFFFF  }
0xa1: {  	p0 =	sne.s32 s3, $0x0;
	_ =	strace $0x9000004A  }
0xa2: {  	s0 =	sadd.s32 @!p0 $0x100000, s0;
	[bflag:$0x2] =	sbarrier.arrive $0xFFFF  }
0xa3: {  	[sflag:s0] =	ssyncadd.tile.s32 @!p0 $0x1;
	_ =	shalt  }
.Lfunc_end2:
_tile_overlayer_lowered:
.L_overlay_start_2:
0xa4: {  	(tag) =	ssettag $0x2  }
0xa5: {  	s0 =	rddreg [dreg:$0x0];
	s2 =	stileid.u32  }
0xa6: {  	s1 =	rddreg [dreg:$0x1];
	p0 =	sne.s32 s2, $0x0  }
0xa7: {  	s3 =	rddreg [dreg:$0x2];
	[bflag:$0x3] =	sbarrier.arrive $0xFFFF;
	s2 =	simm.s32 @!p0 $0x1C03  }
0xa8: {  	[timem:s3], [sflag:s2] =	dma.local @!p0 [hbm:s0], s1  }
0xa9: {  	s0 =	simm.s32 @!p0 $0x3  }
0xaa: {  	_ =	swait.ge @!p0 [sflag:s0], s1  }
0xab: {  	s1 =	ssub.s32 @!p0 $0x0, s1;
	[sflag:s0] =	ssyncset.done @!p0 $0x0  }
0xac: {  	[sflag:s0] =	ssyncadd.s32 @!p0 s1  }
0xad: {  	[bflag:$0x3] =	sbarrier.arrive $0xFFFF  }
0xae: {  	_ =	shalt  }

// kernel: kernel.14.cloned.1.call-start
scs
__scs_entry_jumppad:
0x0: {  	(pc) =	sbr.rel $0x88, $3  }
0x1: {  	(tag) =	ssettag $0x0;
	lr =	simm.s32 $0x1  }
0x2: {  	[smem:$0x3F98] =	sst lr;
	_ =	strace $0xD0000000  }
0x3: {  	_ = 	snop  }
0x4: {  	_ = 	snop  }
0x5: {  	_ = 	snop  }
0x6: {  	_ = 	snop  }
0x7: {  	_ = 	snop  }
__scs_overlays_trampoline_lowered:
0x8: {  	[smem:$0x3FA7] =	sst s0  }
0x9: {  	[smem:$0x3FA8] =	sst s1  }
0xa: {  	[smem:$0x3FA9] =	sst s2  }
0xb: {  	[smem:$0x3FAA] =	sst s3  }
0xc: {  	[smem:$0x3FAB] =	sst s4  }
0xd: {  	[smem:$0x3FAC] =	sst s5  }
0xe: {  	[smem:$0x3FAD] =	sst s6  }
0xf: {  	[smem:$0x3FAE] =	sst s7  }
0x10: {  	[smem:$0x3FAF] =	sst s8  }
0x11: {  	[smem:$0x3FB0] =	sst s9;
	s0 =	simm.s32 @!p0 $0x0  }
0x12: {  	s1 =	sld [smem:$0x3F96];
	s0 =	simm.s32 @p0 $0x1  }
0x13: {  	[smem:$0x3FB1] =	sst s0;
	s0 =	simm.s32 @!p1 $0x0  }
0x14: {  	s2 =	sld [smem:$0x3F95];
	s0 =	simm.s32 @p1 $0x1  }
0x15: {  	[smem:$0x3FB2] =	sst s0;
	s0 =	simm.s32 @!p2 $0x0  }
0x16: {  	s3 =	sld [smem:$0x3FDB];
	s0 =	simm.s32 @p2 $0x1  }
0x17: {  	s4 =	simm.s32 $0x1BF5;
	[smem:$0x3FB4] =	sst s0  }
0x18: {  	s0 =	sld [smem:$0x3F97];
	_ =	swait.ge [sflag:s4], $0x0  }
0x19: {  	s7 =	sld [smem:$0x3F98]  }
0x1a: {  	s8 =	sadd.s32 $0xFFFFE003, lr  }
0x1b: {  	s9 =	sadd.s32 $0xFFFFFEF7, lr;
	s5 =	simm.s32 $0xFFFFFFFF;
	p2 =	slt.u32 s8, $0xFFFFF086  }
0x1c: {  	p1 =	slt.u32 s9, $0xF7A;
	s5 =	simm.s32 @!p2 $0x0  }
0x1d: {  	s5 =	simm.s32 @p1 $0x1;
	p0 =	seq.s32 s7, s2  }
0x1e: {  	s7 =	smul.u32 @!p0 $0xF7A, s2;
	p2 =	seq.s32 @!p0 s5, $0x0  }
0x1f: {  	s9 =	smul.u32 $0xF7A, s1;
	s8 =	simm.s32 @!p0 $0x1BF5;
	p2 =	por !p2, p0  }
0x20: {  	[sflag:s8] =	ssyncset.s32 @!p0 $0xFFFFF086;
	s6 =	sadd.s32 @!p0 s3, s7;
	s7 =	simm.s32 @!p0 $0x108  }
0x21: {  	s3 =	sadd.s32 s3, s9;
	s6 =	sadd.s32 @!p0 $0x88, s6;
	s7 =	simm.s32 @p2 $0x1082  }
0x22: {  	[simem:s7], [sflag:s8] =	dma.local @!p0 [hbm:s6], $0xF7A  }
0x23: {  	s9 =	sor.u32 $0xD0000000, s2;
	s6 =	simm.s32 $0x108;
	_ =	swait.ge @!p0 [sflag:s8], $0x0  }
0x24: {  	s3 =	sadd.s32 $0x88, s3;
	s6 =	simm.s32 @!p1 $0x1082;
	[sflag:s4] =	ssyncset.s32 $0xFFFFF086  }
0x25: {  	[simem:s6], [sflag:s4] =	dma.local [hbm:s3], $0xF7A  }
0x26: {  	[smem:$0x3F98] =	sst s1;
	(tag) =	ssettag s2;
	_ =	strace s9  }
0x27: {  	s1 =	sld [smem:$0x3FA8]  }
0x28: {  	s2 =	sld [smem:$0x3FA9]  }
0x29: {  	s4 =	sld [smem:$0x3FAB]  }
0x2a: {  	p0 =	seq.s32 s5, $0x0;
	s5 =	sld [smem:$0x3FAC]  }
0x2b: {  	s6 =	sld [smem:$0x3FAD]  }
0x2c: {  	s7 =	sld [smem:$0x3FAE]  }
0x2d: {  	s3 =	simm.s32 $0x108;
	s8 =	sld [smem:$0x3FAF]  }
0x2e: {  	s3 =	simm.s32 @!p0 $0x1082;
	s9 =	sld [smem:$0x3FB0]  }
0x2f: {  	lr =	sadd.s32 s0, s3;
	s0 =	sld [smem:$0x3FA7]  }
0x30: {  	s3 =	sld [smem:$0x3FAA]  }
0x31: {  	[smem:$0x3FB3] =	sst s10  }
0x32: {  	s10 =	sld [smem:$0x3FB1];
	_ =	sdelay $0x3  }
0x33: {  	p0 =	seq.s32 s10, $0x1;
	s10 =	sld [smem:$0x3FB3];
	_ =	sdelay $0x3  }
0x34: {  	[smem:$0x3FB3] =	sst s10  }
0x35: {  	s10 =	sld [smem:$0x3FB2];
	_ =	sdelay $0x3  }
0x36: {  	p1 =	seq.s32 s10, $0x1;
	s10 =	sld [smem:$0x3FB3];
	_ =	sdelay $0x3  }
0x37: {  	[smem:$0x3FB3] =	sst s10  }
0x38: {  	s10 =	sld [smem:$0x3FB4]  }
0x39: {  	_ = 	snop;
	(pc) =	sbr.ind lr, $3  }
0x3a: {  	_ = 	snop  }
0x3b: {  	_ = 	snop  }
0x3c: {  	p2 =	seq.s32 s10, $0x1;
	s10 =	sld [smem:$0x3FB3]  }
0x3d: {  	_ =	shalt  }
0x3e: {  	_ =	shalt  }
0x3f: {  	_ =	shalt  }
0x40: {  	_ =	shalt  }
0x41: {  	_ =	shalt  }
0x42: {  	_ =	shalt  }
0x43: {  	_ =	shalt  }
0x44: {  	_ =	shalt  }
0x45: {  	_ =	shalt  }
0x46: {  	_ =	shalt  }
0x47: {  	_ =	shalt  }
0x48: {  	_ =	shalt  }
0x49: {  	_ =	shalt  }
0x4a: {  	_ =	shalt  }
0x4b: {  	_ =	shalt  }
0x4c: {  	_ =	shalt  }
0x4d: {  	_ =	shalt  }
0x4e: {  	_ =	shalt  }
0x4f: {  	_ =	shalt  }
0x50: {  	_ =	shalt  }
0x51: {  	_ =	shalt  }
0x52: {  	_ =	shalt  }
0x53: {  	_ =	shalt  }
0x54: {  	_ =	shalt  }
0x55: {  	_ =	shalt  }
0x56: {  	_ =	shalt  }
0x57: {  	_ =	shalt  }
0x58: {  	_ =	shalt  }
0x59: {  	_ =	shalt  }
0x5a: {  	_ =	shalt  }
0x5b: {  	_ =	shalt  }
0x5c: {  	_ =	shalt  }
0x5d: {  	_ =	shalt  }
0x5e: {  	_ =	shalt  }
0x5f: {  	_ =	shalt  }
0x60: {  	_ =	shalt  }
0x61: {  	_ =	shalt  }
0x62: {  	_ =	shalt  }
0x63: {  	_ =	shalt  }
0x64: {  	_ =	shalt  }
0x65: {  	_ =	shalt  }
0x66: {  	_ =	shalt  }
0x67: {  	_ =	shalt  }
0x68: {  	_ =	shalt  }
0x69: {  	_ =	shalt  }
0x6a: {  	_ =	shalt  }
0x6b: {  	_ =	shalt  }
0x6c: {  	_ =	shalt  }
0x6d: {  	_ =	shalt  }
0x6e: {  	_ =	shalt  }
0x6f: {  	_ =	shalt  }
0x70: {  	_ =	shalt  }
0x71: {  	_ =	shalt  }
0x72: {  	_ =	shalt  }
0x73: {  	_ =	shalt  }
0x74: {  	_ =	shalt  }
0x75: {  	_ =	shalt  }
0x76: {  	_ =	shalt  }
0x77: {  	_ =	shalt  }
0x78: {  	_ =	shalt  }
0x79: {  	_ =	shalt  }
0x7a: {  	_ =	shalt  }
0x7b: {  	_ =	shalt  }
0x7c: {  	_ =	shalt  }
0x7d: {  	_ =	shalt  }
0x7e: {  	_ =	shalt  }
0x7f: {  	_ =	shalt  }
0x80: {  	_ =	shalt  }
0x81: {  	_ =	shalt  }
0x82: {  	_ =	shalt  }
0x83: {  	_ =	shalt  }
0x84: {  	_ =	shalt  }
0x85: {  	_ =	shalt  }
0x86: {  	_ =	shalt  }
0x87: {  	_ =	shalt  }
.Lfunc_end0:
.L_simem_size_0:
called_computation.2_lowered:
.L_overlay_start_0:
0x88: {  	s2 =	sld [smem:$0x3FD9]  }
0x89: {  	s3 =	sld [smem:$0x3FFE];
	_ =	sdelay $0x1  }
0x8a: {  	s1 =	srdreg.scid  }
0x8b: {  	s0 =	sand.u32 $0x1, s1  }
0x8c: {  	s17 =	sshll.u32 s0, $0xA;
	s2 =	sadd.s32 s3, s2  }
0x8d: {  	s2 =	sadd.s32 s2, s17  }
0x8e: {  	[smem:$0x3FBF] =	sst s2  }
0x8f: {  	_ = 	snop  }
0x90: {  	s2 =	sld [smem:$0x3FD0];
	(tm) =	ssettm $0x1  }
0x91: {  	s18 =	sld [smem:$0x3FFB];
	_ =	sdelay $0x3  }
0x92: {  	_ =	strace s18  }
0x93: {  	s3 =	sld [smem:$0x3FFC];
	_ =	sdelay $0x3  }
0x94: {  	_ =	strace s3  }
0x95: {  	s3 =	sld [smem:$0x3FFD];
	_ =	sdelay $0x3  }
0x96: {  	_ =	strace s3  }
0x97: {  	_ =	strace $0x8FFFFFFF  }
0x98: {  	s19 =	sld [smem:$0x3FDB];
	_ =	sdelay $0x1  }
0x99: {  	s4 =	simm.s32 $_scs_section_size  }
0x9a: {  	s5 =	simm.s32 $_size__tile_overlayer_lowered;
	s6 =	simm.s32 $_tile_overlayer_lowered  }
0x9b: {  	s22 =	simm.s32 $0x1BFF;
	s21 =	sshll.u32 s6, $0x1;
	s3 =	sadd.s32 s4, s19  }
0x9c: {  	s7 =	simm.s32 $0x0;
	s20 =	sshll.u32 s5, $0x1;
	s5 =	sadd.s32 s21, s3  }
0x9d: {  	[timem:s7], [sflag:s22] =	dma.local [hbm:s5], s20  }
0x9e: {  	_ =	swait.ge [sflag:s22], s20  }
0x9f: {  	s4 =	ssub.s32 $0x0, s20;
	[sflag:s22] =	ssyncset.done $0x0  }
0xa0: {  	[sflag:s22] =	ssyncadd.s32 s4;
	_ =	sdelay $0x1  }
0xa1: {  	s23 =	simm.s32 $0x1B8B  }
0xa2: {  	_ =	swait.ge [sflag:s23], $0x1  }
0xa3: {  	[sflag:s23] =	ssyncset.done $0x0  }
0xa4: {  	s25 =	simm.s32 $0x1B8E;
	s24 =	sld [smem:$0x3FFE];
	[sflag:s23] =	ssyncadd.s32 $0xFFFFFFFF  }
0xa5: {  	s26 =	simm.s32 $execute0_lowered;
	[smem:$0x3FD2] =	sst s25  }
0xa6: {  	s5 =	sshll.u32 s26, $0x1;
	_ =	strace $0x8000004C;
	[dreg:$0x1] =	wrdreg $0xFFFFFFFF  }
0xa7: {  	s28 =	simm.s32 $_size_execute0_lowered;
	s3 =	sadd.s32 s3, s5;
	[dreg:$0x0] =	wrdreg $0x0  }
0xa8: {  	s5 =	sshll.u32 s28, $0x1;
	[dreg:$0x2] =	wrdreg s3  }
0xa9: {  	[dreg:$0x3] =	wrdreg s5  }
0xaa: {  	[dreg:$0x4] =	wrdreg $0xC0  }
0xab: {  	_ =	task [dreg:s7], $0x5FFFF  }
0xac: {  	[dreg:$0x1] =	wrdreg $0xFFFFFFFF  }
0xad: {  	[dreg:$0x0] =	wrdreg $0x60  }
0xae: {  	[dreg:$0x2] =	wrdreg s24  }
0xaf: {  	[dreg:$0x3] =	wrdreg s2  }
0xb0: {  	[dreg:$0x4] =	wrdreg $0x82000  }
0xb1: {  	[dreg:$0x5] =	wrdreg $0x9  }
0xb2: {  	_ =	task.clear_ibuf [dreg:s7], $0x6FFFF;
	_ =	strace $0x9000004C  }
0xb3: {  	s29 =	simm.s32 $0x9;
	_ =	strace $0x8000004E  }
0xb4: {  	_ =	swait.ge [sflag:s29], $0x1  }
0xb5: {  	[sflag:s29] =	ssyncadd.s32 $0xFFFFFFFF  }
0xb6: {  	_ =	strace $0x9000004E  }
0xb7: {  	_ =	sfence  }
0xb8: {  	s30 =	sld [smem:$0x0];
	_ =	sdelay $0x2  }
0xb9: {  	s31 =	sshll.u32 s1, $0xD;
	s1 =	sshrl.u32 s1, $0x2  }
0xba: {  	s3 =	sand.u32 $0x4000, s31;
	s1 =	sadd.s32 s1, s30  }
0xbb: {  	s0 =	sor.u32 s3, s0;
	s1 =	sshll.u32 s1, $0x11  }
0xbc: {  	s0 =	sor.u32 s1, s0  }
0xbd: {  	s0 =	sadd.s32 $0x8F2B, s0  }
0xbe: {  	[sflag:s0] =	ssyncadd.remote.s32 $0x1  }
0xbf: {  	_ =	sfence.sel $0xFFFF  }
0xc0: {  	[dreg:$0x0] =	wrdreg $0xFFFFFFFF;
	(pc) =	sbr.abs _section_cstart, $3  }
0xc1: {  	[dreg:$0x1] =	wrdreg $0xFFFFFFFF  }
0xc2: {  	_ =	task.clear_ibuf [dreg:s7], $0x2FFFF;
	_ =	strace $0x9FFFFFFF  }
0xc3: {  	(tm) =	ssettm $0x7FFFFFFF  }
tec
execute0_lowered:
.L_overlay_start_1:
0x0: {  	(tag) =	ssettag $0x1  }
0x1: {  	s5 =	rddreg [dreg:$0x0]  }
0x2: {  	s1 =	rddreg [dreg:$0x1]  }
0x3: {  	s0 =	srdreg.scid;
	s2 =	rddreg [dreg:$0x2];
	s4 =	simm.s32 $0x0  }
0x4: {  	s3 =	stileid.u32;
	s17 =	simm.s32 $0x80;
	s18 =	simm.s32 $0x200  }
0x5: {  	s19 =	simm.s32 $0x100;
	s20 =	simm.s32 $0x180;
	s9 =	smul.u32 $0x14000, s3  }
0x6: {  	s21 =	simm.s32 $0x4200;
	s22 =	simm.s32 $0x1;
	s25 =	smul.u32 $0x50000, s3  }
0x7: {  	s6 =	sand.u32 $0x1, s0;
	s0 =	rddreg [dreg:$0x3];
	s29 =	smul.u32 $0x2800, s3  }
0x8: {  	s23 =	simm.s32 $0x2;
	[smem:$0x7FF] =	sst s4;
	s16 =	smul.u32 $0x500, s3  }
0x9: {  	s14 =	sadd.s32 $0x2400, s5;
	s13 =	sadd.s32 $0x7400, s5;
	s7 =	smul.u32 $0x27100, s6  }
0xa: {  	s31 =	sshll.u32 s3, $0x6;
	s8 =	smul.u32 $0x140000, s6;
	s6 =	ssub.s32 $0x2, s6  }
0xb: {  	_ =	strace $0x8000004D;
	s28 =	sshrl.u32 s6, $0x1;
	s30 =	sshrl.u32 s25, $0x2  }
0xc: {  	s12 =	sshrl.u32 s29, $0x3;
	s10 =	sadd.s32 s7, s5;
	s24 =	sadd.s32 s9, s8  }
0xd: {  	s11 =	ssub.s32 s6, s28;
	s15 =	sadd.s32 s30, s2;
	s6 =	sadd.s32 s14, s12  }
0xe: {  	s7 =	sshrl.u32 s24, $0x3;
	s8 =	sadd.s32 $0xC400, s10;
	s10 =	smax.u32 s11, $0x1  }
0xf: {  	s15 =	sshrl.u32 s15, $0x3;
	s24 =	simm.s32 $0x0;
	s26 =	sadd.s32 s7, s5  }
0x10: {  	s5 =	sor.u32 $0x1C03, s31;
	s7 =	sadd.s32 s13, s12;
	s12 =	sadd.s32 $0x4F0, s12  }
0x11: {  	s9 =	sadd.s32 $0x5A600, s26;
	s11 =	sadd.s32 s14, s12;
	s12 =	sadd.s32 s13, s12  }
0x12: {  	s13 =	sadd.s32 s16, s13;
	s14 =	sadd.s32 s16, s14;
	s16 =	simm.s32 $0x3  }
.LBB2_1:
0x13: {  	[spmem:s15], [sflag:s5] =	dma.local [hbm:s1], $0x2800  }
0x14: {  	_ =	swait.ge [sflag:s16], $0x2800  }
0x15: {  	[sflag:s16] =	ssyncset.done $0x0  }
0x16: {  	[sflag:s16] =	ssyncadd.s32 $0xFFFFD800  }
0x17: {  	[bflag:$0x0] =	sbarrier.arrive $0xFFFF  }
0x18: {  	[tilespmem:s4], [sflag:$0x3] =	stream.linear.gather [hbm4b:s6+s4], $0x80, $0x38;
	[tilespmem:$0x1C200] =	vst v63  }
0x19: {  	_ =	swait.ge [sflag:s16], $0x80  }
0x1a: {  	[sflag:s16] =	ssyncset.done $0x0  }
0x1b: {  	[sflag:s16] =	ssyncadd.s32 $0xFFFFFF80  }
0x1c: {  	[tilespmem:s17], [sflag:$0x3] =	stream.linear.gather [hbm4b:s7+s4], $0x80, $0x38;
	[tilespmem:$0x1C200] =	vst v63  }
0x1d: {  	_ =	swait.ge [sflag:s16], $0x80  }
0x1e: {  	[sflag:s16] =	ssyncset.done $0x0  }
0x1f: {  	s25 =	sadd.s32 $0xFFFFFB20, s14;
	[sflag:s16] =	ssyncadd.s32 $0xFFFFFF80  }
0x20: {  	[tilespmem:s18], [sflag:$0x1] =	stream.indirect.gather [hbm4b:s8+s17], $0x80, s4, s17, $0xb8;
	[tilespmem:$0x1C200] =	vst v63  }
0x21: {  	s26 =	sadd.s32 $0x4F0, s25  }
0x22: {  	[tilespmem:s19], [sflag:$0x3] =	stream.linear.gather [hbm4b:s26+s4], $0x80, $0x38;
	[tilespmem:$0x1C200] =	vst v63  }
0x23: {  	_ =	swait.ge [sflag:s16], $0x80  }
0x24: {  	s30 =	sadd.s32 $0xFFFFFB20, s13;
	[sflag:s16] =	ssyncset.done $0x0  }
0x25: {  	s28 =	sadd.s32 $0x4F0, s30;
	[sflag:s16] =	ssyncadd.s32 $0xFFFFFF80  }
0x26: {  	[tilespmem:s20], [sflag:$0x3] =	stream.linear.gather [hbm4b:s28+s4], $0x80, $0x38;
	[tilespmem:$0x1C200] =	vst v63  }
0x27: {  	_ =	swait.ge [sflag:s16], $0x80  }
0x28: {  	[sflag:s16] =	ssyncset.done $0x0  }
0x29: {  	[sflag:s16] =	ssyncadd.s32 $0xFFFFFF80  }
0x2a: {  	[tilespmem:s21], [sflag:$0x2] =	stream.indirect.gather [hbm4b:s8+s17], $0x80, s19, s17, $0xb8;
	[tilespmem:$0x1C200] =	vst v63  }
0x2b: {  	_ =	swait.ge [sflag:s22], $0x4000  }
0x2c: {  	[sflag:s22] =	ssyncset.done $0x0  }
0x2d: {  	[sflag:s22] =	ssyncadd.s32 $0xFFFFC000  }
0x2e: {  	[spmem:s2] =	stream.indirect.scatter.add.f32 [tilespmem:s18], [sflag:$0x3], $0x80, s17, s17, $0xb8;
	[tilespmem:$0x1C200] =	vst v63  }
0x2f: {  	_ =	swait.ge [sflag:s16], $0x4000  }
0x30: {  	[sflag:s16] =	ssyncset.done $0x0  }
0x31: {  	s25 =	sadd.s32 $0x500, s25;
	[sflag:s16] =	ssyncadd.s32 $0xFFFFC000  }
0x32: {  	[tilespmem:s4], [sflag:$0x3] =	stream.linear.gather [hbm4b:s25+s4], $0x80, $0x38;
	[tilespmem:$0x1C200] =	vst v63  }
0x33: {  	_ =	swait.ge [sflag:s16], $0x80  }
0x34: {  	[sflag:s16] =	ssyncset.done $0x0  }
0x35: {  	s31 =	sadd.s32 $0x500, s30;
	[sflag:s16] =	ssyncadd.s32 $0xFFFFFF80  }
0x36: {  	[tilespmem:s17], [sflag:$0x3] =	stream.linear.gather [hbm4b:s31+s4], $0x80, $0x38;
	[tilespmem:$0x1C200] =	vst v63  }
0x37: {  	_ =	swait.ge [sflag:s16], $0x80  }
0x38: {  	[sflag:s16] =	ssyncset.done $0x0  }
0x39: {  	[sflag:s16] =	ssyncadd.s32 $0xFFFFFF80  }
0x3a: {  	[tilespmem:s18], [sflag:$0x1] =	stream.indirect.gather [hbm4b:s8+s17], $0x80, s4, s17, $0xb8;
	[tilespmem:$0x1C200] =	vst v63  }
0x3b: {  	_ =	swait.ge [sflag:s23], $0x4000  }
0x3c: {  	[sflag:s23] =	ssyncset.done $0x0  }
0x3d: {  	[sflag:s23] =	ssyncadd.s32 $0xFFFFC000  }
0x3e: {  	[spmem:s2] =	stream.indirect.scatter.add.f32 [tilespmem:s21], [sflag:$0x3], $0x80, s20, s17, $0xb8;
	[tilespmem:$0x1C200] =	vst v63  }
0x3f: {  	s29 =	simm.s32 $0xFFFFFB60;
	_ =	swait.ge [sflag:s16], $0x4000  }
0x40: {  	s28 =	sadd.s32 $0xFFFFFB40, s14;
	s25 =	simm.s32 $0xFFFFFB40;
	[sflag:s16] =	ssyncset.done $0x0  }
.LBB2_2:
0x41: {  	s30 =	sadd.s32 $0x4F0, s28  }
0x42: {  	[sflag:s16] =	ssyncadd.s32 $0xFFFFC000;
	s31 =	smov.u32 s29;
	s26 =	sadd.s32 $0x20, s29  }
0x43: {  	[tilespmem:s19], [sflag:$0x3] =	stream.linear.gather [hbm4b:s30+s4], $0x80, $0x38;
	[tilespmem:$0x1C200] =	vst v63  }
0x44: {  	p0 =	sne.s32 s29, $0xFFFFFFE0;
	_ =	swait.ge [sflag:s16], $0x80  }
0x45: {  	s29 =	sadd.s32 s25, s13;
	s25 =	smov.u32 s31;
	[sflag:s16] =	ssyncset.done $0x0  }
0x46: {  	s30 =	sadd.s32 $0x4F0, s29;
	[sflag:s16] =	ssyncadd.s32 $0xFFFFFF80  }
0x47: {  	[tilespmem:s20], [sflag:$0x3] =	stream.linear.gather [hbm4b:s30+s4], $0x80, $0x38;
	[tilespmem:$0x1C200] =	vst v63  }
0x48: {  	_ =	swait.ge [sflag:s16], $0x80  }
0x49: {  	[sflag:s16] =	ssyncset.done $0x0  }
0x4a: {  	[sflag:s16] =	ssyncadd.s32 $0xFFFFFF80  }
0x4b: {  	[tilespmem:s21], [sflag:$0x2] =	stream.indirect.gather [hbm4b:s8+s17], $0x80, s19, s17, $0xb8;
	[tilespmem:$0x1C200] =	vst v63  }
0x4c: {  	_ =	swait.ge [sflag:s22], $0x4000  }
0x4d: {  	[sflag:s22] =	ssyncset.done $0x0  }
0x4e: {  	[sflag:s22] =	ssyncadd.s32 $0xFFFFC000  }
0x4f: {  	[spmem:s2] =	stream.indirect.scatter.add.f32 [tilespmem:s18], [sflag:$0x3], $0x80, s17, s17, $0xb8;
	[tilespmem:$0x1C200] =	vst v63  }
0x50: {  	_ =	swait.ge [sflag:s16], $0x4000  }
0x51: {  	[sflag:s16] =	ssyncset.done $0x0  }
0x52: {  	s28 =	sadd.s32 $0x500, s28;
	[sflag:s16] =	ssyncadd.s32 $0xFFFFC000  }
0x53: {  	[tilespmem:s4], [sflag:$0x3] =	stream.linear.gather [hbm4b:s28+s4], $0x80, $0x38;
	[tilespmem:$0x1C200] =	vst v63  }
0x54: {  	_ =	swait.ge [sflag:s16], $0x80  }
0x55: {  	[sflag:s16] =	ssyncset.done $0x0  }
0x56: {  	s28 =	sadd.s32 $0x500, s29;
	[sflag:s16] =	ssyncadd.s32 $0xFFFFFF80  }
0x57: {  	[tilespmem:s17], [sflag:$0x3] =	stream.linear.gather [hbm4b:s28+s4], $0x80, $0x38;
	[tilespmem:$0x1C200] =	vst v63  }
0x58: {  	_ =	swait.ge [sflag:s16], $0x80  }
0x59: {  	[sflag:s16] =	ssyncset.done $0x0  }
0x5a: {  	[sflag:s16] =	ssyncadd.s32 $0xFFFFFF80  }
0x5b: {  	[tilespmem:s18], [sflag:$0x1] =	stream.indirect.gather [hbm4b:s8+s17], $0x80, s4, s17, $0xb8;
	[tilespmem:$0x1C200] =	vst v63  }
0x5c: {  	_ =	swait.ge [sflag:s23], $0x4000  }
.Ltmp0:
0x5d: {  	[sflag:s23] =	ssyncset.done $0x0;
	(pc) =	sbr.rel @p0 .LBB2_2-.Ltmp0, $4  }
0x5e: {  	[sflag:s23] =	ssyncadd.s32 $0xFFFFC000  }
0x5f: {  	[spmem:s2] =	stream.indirect.scatter.add.f32 [tilespmem:s21], [sflag:$0x3], $0x80, s20, s17, $0xb8;
	[tilespmem:$0x1C200] =	vst v63  }
0x60: {  	_ =	swait.ge [sflag:s16], $0x4000  }
0x61: {  	s29 =	smov.u32 s26;
	s28 =	sadd.s32 s25, s14;
	[sflag:s16] =	ssyncset.done $0x0  }
0x62: {  	s26 =	sadd.s32 $0x4F0, s28;
	[sflag:s16] =	ssyncadd.s32 $0xFFFFC000  }
0x63: {  	[tilespmem:s19], [sflag:$0x3] =	stream.linear.gather [hbm4b:s26+s4], $0x80, $0x38;
	[tilespmem:$0x1C200] =	vst v63  }
0x64: {  	_ =	swait.ge [sflag:s16], $0x80  }
0x65: {  	s25 =	sadd.s32 s25, s13;
	[sflag:s16] =	ssyncset.done $0x0  }
0x66: {  	s30 =	sadd.s32 $0x4F0, s25;
	[sflag:s16] =	ssyncadd.s32 $0xFFFFFF80  }
0x67: {  	[tilespmem:s20], [sflag:$0x3] =	stream.linear.gather [hbm4b:s30+s4], $0x80, $0x38;
	[tilespmem:$0x1C200] =	vst v63  }
0x68: {  	_ =	swait.ge [sflag:s16], $0x80  }
0x69: {  	[sflag:s16] =	ssyncset.done $0x0  }
0x6a: {  	[sflag:s16] =	ssyncadd.s32 $0xFFFFFF80  }
0x6b: {  	[tilespmem:s21], [sflag:$0x2] =	stream.indirect.gather [hbm4b:s8+s17], $0x80, s19, s17, $0xb8;
	[tilespmem:$0x1C200] =	vst v63  }
0x6c: {  	_ =	swait.ge [sflag:s22], $0x4000  }
0x6d: {  	[sflag:s22] =	ssyncset.done $0x0  }
0x6e: {  	[sflag:s22] =	ssyncadd.s32 $0xFFFFC000  }
0x6f: {  	[spmem:s2] =	stream.indirect.scatter.add.f32 [tilespmem:s18], [sflag:$0x3], $0x80, s17, s17, $0xb8;
	[tilespmem:$0x1C200] =	vst v63  }
0x70: {  	_ =	swait.ge [sflag:s16], $0x4000  }
0x71: {  	[sflag:s16] =	ssyncset.done $0x0  }
0x72: {  	s31 =	sadd.s32 $0x500, s28;
	[sflag:s16] =	ssyncadd.s32 $0xFFFFC000  }
0x73: {  	[tilespmem:s4], [sflag:$0x3] =	stream.linear.gather [hbm4b:s31+s4], $0x80, $0x38;
	[tilespmem:$0x1C200] =	vst v63  }
0x74: {  	_ =	swait.ge [sflag:s16], $0x80  }
0x75: {  	[sflag:s16] =	ssyncset.done $0x0  }
0x76: {  	s25 =	sadd.s32 $0x500, s25;
	[sflag:s16] =	ssyncadd.s32 $0xFFFFFF80  }
0x77: {  	[tilespmem:s17], [sflag:$0x3] =	stream.linear.gather [hbm4b:s25+s4], $0x80, $0x38;
	[tilespmem:$0x1C200] =	vst v63  }
0x78: {  	_ =	swait.ge [sflag:s16], $0x80  }
0x79: {  	[sflag:s16] =	ssyncset.done $0x0  }
0x7a: {  	[sflag:s16] =	ssyncadd.s32 $0xFFFFFF80  }
0x7b: {  	[tilespmem:s18], [sflag:$0x1] =	stream.indirect.gather [hbm4b:s8+s17], $0x80, s4, s17, $0xb8;
	[tilespmem:$0x1C200] =	vst v63  }
0x7c: {  	_ =	swait.ge [sflag:s23], $0x4000  }
0x7d: {  	[sflag:s23] =	ssyncset.done $0x0  }
0x7e: {  	[sflag:s23] =	ssyncadd.s32 $0xFFFFC000  }
0x7f: {  	[spmem:s2] =	stream.indirect.scatter.add.f32 [tilespmem:s21], [sflag:$0x3], $0x80, s20, s17, $0xb8;
	[tilespmem:$0x1C200] =	vst v63  }
0x80: {  	_ =	swait.ge [sflag:s16], $0x4000  }
0x81: {  	[sflag:s16] =	ssyncset.done $0x0  }
0x82: {  	[sflag:s16] =	ssyncadd.s32 $0xFFFFC000  }
0x83: {  	[tilespmem:s19], [sflag:$0x3] =	stream.linear.gather [hbm4b:s11+s4], $0x80, $0x38;
	[tilespmem:$0x1C200] =	vst v63  }
0x84: {  	_ =	swait.ge [sflag:s16], $0x80  }
0x85: {  	[sflag:s16] =	ssyncset.done $0x0  }
0x86: {  	[sflag:s16] =	ssyncadd.s32 $0xFFFFFF80  }
0x87: {  	[tilespmem:s20], [sflag:$0x3] =	stream.linear.gather [hbm4b:s12+s4], $0x80, $0x38;
	[tilespmem:$0x1C200] =	vst v63  }
0x88: {  	_ =	swait.ge [sflag:s16], $0x80  }
0x89: {  	[sflag:s16] =	ssyncset.done $0x0  }
0x8a: {  	[sflag:s16] =	ssyncadd.s32 $0xFFFFFF80  }
0x8b: {  	[tilespmem:s21], [sflag:$0x2] =	stream.indirect.gather [hbm4b:s8+s17], $0x80, s19, s17, $0xb8;
	[tilespmem:$0x1C200] =	vst v63  }
0x8c: {  	_ =	swait.ge [sflag:s22], $0x4000  }
0x8d: {  	[sflag:s22] =	ssyncset.done $0x0  }
0x8e: {  	[sflag:s22] =	ssyncadd.s32 $0xFFFFC000  }
0x8f: {  	[spmem:s2] =	stream.indirect.scatter.add.f32 [tilespmem:s18], [sflag:$0x3], $0x80, s17, s17, $0xb8;
	[tilespmem:$0x1C200] =	vst v63  }
0x90: {  	_ =	swait.ge [sflag:s16], $0x4000  }
0x91: {  	[sflag:s16] =	ssyncset.done $0x0  }
0x92: {  	[sflag:s16] =	ssyncadd.s32 $0xFFFFC000  }
0x93: {  	_ =	swait.ge [sflag:s23], $0x4000  }
0x94: {  	[sflag:s23] =	ssyncset.done $0x0  }
0x95: {  	[sflag:s23] =	ssyncadd.s32 $0xFFFFC000  }
0x96: {  	[spmem:s2] =	stream.indirect.scatter.add.f32 [tilespmem:s21], [sflag:$0x3], $0x80, s20, s17, $0xb8;
	[tilespmem:$0x1C200] =	vst v63  }
0x97: {  	_ =	swait.ge [sflag:s16], $0x4000  }
0x98: {  	s24 =	sadd.s32 $0x1, s24;
	[sflag:s16] =	ssyncset.done $0x0  }
0x99: {  	p0 =	sne.s32 s24, s10;
	[sflag:s16] =	ssyncadd.s32 $0xFFFFC000  }
.Ltmp1:
0x9a: {  	[bflag:$0x0] =	sbarrier.arrive $0xFFFF;
	(pc) =	sbr.rel @p0 .LBB2_1-.Ltmp1, $4  }
0x9b: {  	[hbm:s9], [sflag:s5] =	dma.local [spmem:s15], $0x2800  }
0x9c: {  	_ =	swait.ge [sflag:s16], $0x2800  }
0x9d: {  	[sflag:s16] =	ssyncset.done $0x0  }
0x9e: {  	[sflag:s16] =	ssyncadd.s32 $0xFFFFD800  }
0x9f: {  	_ =	sfence.sel $0x180000  }
0xa0: {  	[bflag:$0x0] =	sbarrier.arrive $0xFFFF  }
0xa1: {  	p0 =	sne.s32 s3, $0x0;
	_ =	strace $0x9000004D  }
0xa2: {  	s0 =	sadd.s32 @!p0 $0x100000, s0;
	[bflag:$0x2] =	sbarrier.arrive $0xFFFF  }
0xa3: {  	[sflag:s0] =	ssyncadd.tile.s32 @!p0 $0x1;
	_ =	shalt  }
.Lfunc_end2:
_tile_overlayer_lowered:
.L_overlay_start_2:
0xa4: {  	(tag) =	ssettag $0x2  }
0xa5: {  	s0 =	rddreg [dreg:$0x0];
	s2 =	stileid.u32  }
0xa6: {  	s1 =	rddreg [dreg:$0x1];
	p0 =	sne.s32 s2, $0x0  }
0xa7: {  	s3 =	rddreg [dreg:$0x2];
	[bflag:$0x3] =	sbarrier.arrive $0xFFFF;
	s2 =	simm.s32 @!p0 $0x1C03  }
0xa8: {  	[timem:s3], [sflag:s2] =	dma.local @!p0 [hbm:s0], s1  }
0xa9: {  	s0 =	simm.s32 @!p0 $0x3  }
0xaa: {  	_ =	swait.ge @!p0 [sflag:s0], s1  }
0xab: {  	s1 =	ssub.s32 @!p0 $0x0, s1;
	[sflag:s0] =	ssyncset.done @!p0 $0x0  }
0xac: {  	[sflag:s0] =	ssyncadd.s32 @!p0 s1  }
0xad: {  	[bflag:$0x3] =	sbarrier.arrive $0xFFFF  }
0xae: {  	_ =	shalt  }

// kernel: kernel.8.cloned.1.call-start
scs
__scs_entry_jumppad:
0x0: {  	(pc) =	sbr.rel $0x88, $3  }
0x1: {  	(tag) =	ssettag $0x0;
	lr =	simm.s32 $0x1  }
0x2: {  	[smem:$0x3F98] =	sst lr;
	_ =	strace $0xD0000000  }
0x3: {  	_ = 	snop  }
0x4: {  	_ = 	snop  }
0x5: {  	_ = 	snop  }
0x6: {  	_ = 	snop  }
0x7: {  	_ = 	snop  }
__scs_overlays_trampoline_lowered:
0x8: {  	[smem:$0x3FA7] =	sst s0  }
0x9: {  	[smem:$0x3FA8] =	sst s1  }
0xa: {  	[smem:$0x3FA9] =	sst s2  }
0xb: {  	[smem:$0x3FAA] =	sst s3  }
0xc: {  	[smem:$0x3FAB] =	sst s4  }
0xd: {  	[smem:$0x3FAC] =	sst s5  }
0xe: {  	[smem:$0x3FAD] =	sst s6  }
0xf: {  	[smem:$0x3FAE] =	sst s7  }
0x10: {  	[smem:$0x3FAF] =	sst s8  }
0x11: {  	[smem:$0x3FB0] =	sst s9;
	s0 =	simm.s32 @!p0 $0x0  }
0x12: {  	s1 =	sld [smem:$0x3F96];
	s0 =	simm.s32 @p0 $0x1  }
0x13: {  	[smem:$0x3FB1] =	sst s0;
	s0 =	simm.s32 @!p1 $0x0  }
0x14: {  	s2 =	sld [smem:$0x3F95];
	s0 =	simm.s32 @p1 $0x1  }
0x15: {  	[smem:$0x3FB2] =	sst s0;
	s0 =	simm.s32 @!p2 $0x0  }
0x16: {  	s3 =	sld [smem:$0x3FDB];
	s0 =	simm.s32 @p2 $0x1  }
0x17: {  	s4 =	simm.s32 $0x1BF5;
	[smem:$0x3FB4] =	sst s0  }
0x18: {  	s0 =	sld [smem:$0x3F97];
	_ =	swait.ge [sflag:s4], $0x0  }
0x19: {  	s7 =	sld [smem:$0x3F98]  }
0x1a: {  	s8 =	sadd.s32 $0xFFFFE003, lr  }
0x1b: {  	s9 =	sadd.s32 $0xFFFFFEF7, lr;
	s5 =	simm.s32 $0xFFFFFFFF;
	p2 =	slt.u32 s8, $0xFFFFF086  }
0x1c: {  	p1 =	slt.u32 s9, $0xF7A;
	s5 =	simm.s32 @!p2 $0x0  }
0x1d: {  	s5 =	simm.s32 @p1 $0x1;
	p0 =	seq.s32 s7, s2  }
0x1e: {  	s7 =	smul.u32 @!p0 $0xF7A, s2;
	p2 =	seq.s32 @!p0 s5, $0x0  }
0x1f: {  	s9 =	smul.u32 $0xF7A, s1;
	s8 =	simm.s32 @!p0 $0x1BF5;
	p2 =	por !p2, p0  }
0x20: {  	[sflag:s8] =	ssyncset.s32 @!p0 $0xFFFFF086;
	s6 =	sadd.s32 @!p0 s3, s7;
	s7 =	simm.s32 @!p0 $0x108  }
0x21: {  	s3 =	sadd.s32 s3, s9;
	s6 =	sadd.s32 @!p0 $0x88, s6;
	s7 =	simm.s32 @p2 $0x1082  }
0x22: {  	[simem:s7], [sflag:s8] =	dma.local @!p0 [hbm:s6], $0xF7A  }
0x23: {  	s9 =	sor.u32 $0xD0000000, s2;
	s6 =	simm.s32 $0x108;
	_ =	swait.ge @!p0 [sflag:s8], $0x0  }
0x24: {  	s3 =	sadd.s32 $0x88, s3;
	s6 =	simm.s32 @!p1 $0x1082;
	[sflag:s4] =	ssyncset.s32 $0xFFFFF086  }
0x25: {  	[simem:s6], [sflag:s4] =	dma.local [hbm:s3], $0xF7A  }
0x26: {  	[smem:$0x3F98] =	sst s1;
	(tag) =	ssettag s2;
	_ =	strace s9  }
0x27: {  	s1 =	sld [smem:$0x3FA8]  }
0x28: {  	s2 =	sld [smem:$0x3FA9]  }
0x29: {  	s4 =	sld [smem:$0x3FAB]  }
0x2a: {  	p0 =	seq.s32 s5, $0x0;
	s5 =	sld [smem:$0x3FAC]  }
0x2b: {  	s6 =	sld [smem:$0x3FAD]  }
0x2c: {  	s7 =	sld [smem:$0x3FAE]  }
0x2d: {  	s3 =	simm.s32 $0x108;
	s8 =	sld [smem:$0x3FAF]  }
0x2e: {  	s3 =	simm.s32 @!p0 $0x1082;
	s9 =	sld [smem:$0x3FB0]  }
0x2f: {  	lr =	sadd.s32 s0, s3;
	s0 =	sld [smem:$0x3FA7]  }
0x30: {  	s3 =	sld [smem:$0x3FAA]  }
0x31: {  	[smem:$0x3FB3] =	sst s10  }
0x32: {  	s10 =	sld [smem:$0x3FB1];
	_ =	sdelay $0x3  }
0x33: {  	p0 =	seq.s32 s10, $0x1;
	s10 =	sld [smem:$0x3FB3];
	_ =	sdelay $0x3  }
0x34: {  	[smem:$0x3FB3] =	sst s10  }
0x35: {  	s10 =	sld [smem:$0x3FB2];
	_ =	sdelay $0x3  }
0x36: {  	p1 =	seq.s32 s10, $0x1;
	s10 =	sld [smem:$0x3FB3];
	_ =	sdelay $0x3  }
0x37: {  	[smem:$0x3FB3] =	sst s10  }
0x38: {  	s10 =	sld [smem:$0x3FB4]  }
0x39: {  	_ = 	snop;
	(pc) =	sbr.ind lr, $3  }
0x3a: {  	_ = 	snop  }
0x3b: {  	_ = 	snop  }
0x3c: {  	p2 =	seq.s32 s10, $0x1;
	s10 =	sld [smem:$0x3FB3]  }
0x3d: {  	_ =	shalt  }
0x3e: {  	_ =	shalt  }
0x3f: {  	_ =	shalt  }
0x40: {  	_ =	shalt  }
0x41: {  	_ =	shalt  }
0x42: {  	_ =	shalt  }
0x43: {  	_ =	shalt  }
0x44: {  	_ =	shalt  }
0x45: {  	_ =	shalt  }
0x46: {  	_ =	shalt  }
0x47: {  	_ =	shalt  }
0x48: {  	_ =	shalt  }
0x49: {  	_ =	shalt  }
0x4a: {  	_ =	shalt  }
0x4b: {  	_ =	shalt  }
0x4c: {  	_ =	shalt  }
0x4d: {  	_ =	shalt  }
0x4e: {  	_ =	shalt  }
0x4f: {  	_ =	shalt  }
0x50: {  	_ =	shalt  }
0x51: {  	_ =	shalt  }
0x52: {  	_ =	shalt  }
0x53: {  	_ =	shalt  }
0x54: {  	_ =	shalt  }
0x55: {  	_ =	shalt  }
0x56: {  	_ =	shalt  }
0x57: {  	_ =	shalt  }
0x58: {  	_ =	shalt  }
0x59: {  	_ =	shalt  }
0x5a: {  	_ =	shalt  }
0x5b: {  	_ =	shalt  }
0x5c: {  	_ =	shalt  }
0x5d: {  	_ =	shalt  }
0x5e: {  	_ =	shalt  }
0x5f: {  	_ =	shalt  }
0x60: {  	_ =	shalt  }
0x61: {  	_ =	shalt  }
0x62: {  	_ =	shalt  }
0x63: {  	_ =	shalt  }
0x64: {  	_ =	shalt  }
0x65: {  	_ =	shalt  }
0x66: {  	_ =	shalt  }
0x67: {  	_ =	shalt  }
0x68: {  	_ =	shalt  }
0x69: {  	_ =	shalt  }
0x6a: {  	_ =	shalt  }
0x6b: {  	_ =	shalt  }
0x6c: {  	_ =	shalt  }
0x6d: {  	_ =	shalt  }
0x6e: {  	_ =	shalt  }
0x6f: {  	_ =	shalt  }
0x70: {  	_ =	shalt  }
0x71: {  	_ =	shalt  }
0x72: {  	_ =	shalt  }
0x73: {  	_ =	shalt  }
0x74: {  	_ =	shalt  }
0x75: {  	_ =	shalt  }
0x76: {  	_ =	shalt  }
0x77: {  	_ =	shalt  }
0x78: {  	_ =	shalt  }
0x79: {  	_ =	shalt  }
0x7a: {  	_ =	shalt  }
0x7b: {  	_ =	shalt  }
0x7c: {  	_ =	shalt  }
0x7d: {  	_ =	shalt  }
0x7e: {  	_ =	shalt  }
0x7f: {  	_ =	shalt  }
0x80: {  	_ =	shalt  }
0x81: {  	_ =	shalt  }
0x82: {  	_ =	shalt  }
0x83: {  	_ =	shalt  }
0x84: {  	_ =	shalt  }
0x85: {  	_ =	shalt  }
0x86: {  	_ =	shalt  }
0x87: {  	_ =	shalt  }
.Lfunc_end0:
.L_simem_size_0:
called_computation_lowered:
.L_overlay_start_0:
0x88: {  	s2 =	sld [smem:$0x3FD9]  }
0x89: {  	s3 =	sld [smem:$0x3FFE];
	_ =	sdelay $0x1  }
0x8a: {  	s1 =	srdreg.scid  }
0x8b: {  	s0 =	sand.u32 $0x1, s1  }
0x8c: {  	s17 =	sshll.u32 s0, $0xA;
	s2 =	sadd.s32 s3, s2  }
0x8d: {  	s2 =	sadd.s32 s2, s17  }
0x8e: {  	[smem:$0x3FBF] =	sst s2  }
0x8f: {  	_ = 	snop  }
0x90: {  	s2 =	sld [smem:$0x3FD0];
	(tm) =	ssettm $0x1  }
0x91: {  	s18 =	sld [smem:$0x3FFB];
	_ =	sdelay $0x3  }
0x92: {  	_ =	strace s18  }
0x93: {  	s3 =	sld [smem:$0x3FFC];
	_ =	sdelay $0x3  }
0x94: {  	_ =	strace s3  }
0x95: {  	s3 =	sld [smem:$0x3FFD];
	_ =	sdelay $0x3  }
0x96: {  	_ =	strace s3  }
0x97: {  	_ =	strace $0x8FFFFFFF  }
0x98: {  	s19 =	sld [smem:$0x3FDB];
	_ =	sdelay $0x1  }
0x99: {  	s4 =	simm.s32 $_scs_section_size  }
0x9a: {  	s5 =	simm.s32 $_size__tile_overlayer_lowered;
	s6 =	simm.s32 $_tile_overlayer_lowered  }
0x9b: {  	s22 =	simm.s32 $0x1BFF;
	s21 =	sshll.u32 s6, $0x1;
	s3 =	sadd.s32 s4, s19  }
0x9c: {  	s7 =	simm.s32 $0x0;
	s20 =	sshll.u32 s5, $0x1;
	s5 =	sadd.s32 s21, s3  }
0x9d: {  	[timem:s7], [sflag:s22] =	dma.local [hbm:s5], s20  }
0x9e: {  	_ =	swait.ge [sflag:s22], s20  }
0x9f: {  	s4 =	ssub.s32 $0x0, s20;
	[sflag:s22] =	ssyncset.done $0x0  }
0xa0: {  	[sflag:s22] =	ssyncadd.s32 s4;
	_ =	sdelay $0x1  }
0xa1: {  	s23 =	simm.s32 $0x1B8B  }
0xa2: {  	_ =	swait.ge [sflag:s23], $0x1  }
0xa3: {  	[sflag:s23] =	ssyncset.done $0x0  }
0xa4: {  	s25 =	simm.s32 $0x1B8E;
	s24 =	sld [smem:$0x3FFE];
	[sflag:s23] =	ssyncadd.s32 $0xFFFFFFFF  }
0xa5: {  	s26 =	simm.s32 $execute0_lowered;
	[smem:$0x3FD2] =	sst s25  }
0xa6: {  	s5 =	sshll.u32 s26, $0x1;
	_ =	strace $0x80000046;
	[dreg:$0x1] =	wrdreg $0xFFFFFFFF  }
0xa7: {  	s28 =	simm.s32 $_size_execute0_lowered;
	s3 =	sadd.s32 s3, s5;
	[dreg:$0x0] =	wrdreg $0x0  }
0xa8: {  	s5 =	sshll.u32 s28, $0x1;
	[dreg:$0x2] =	wrdreg s3  }
0xa9: {  	[dreg:$0x3] =	wrdreg s5  }
0xaa: {  	[dreg:$0x4] =	wrdreg $0xC0  }
0xab: {  	_ =	task [dreg:s7], $0x5FFFF  }
0xac: {  	[dreg:$0x1] =	wrdreg $0xFFFFFFFF  }
0xad: {  	[dreg:$0x0] =	wrdreg $0x60  }
0xae: {  	[dreg:$0x2] =	wrdreg s2  }
0xaf: {  	[dreg:$0x3] =	wrdreg s24  }
0xb0: {  	[dreg:$0x4] =	wrdreg $0x3800  }
0xb1: {  	[dreg:$0x5] =	wrdreg $0x9  }
0xb2: {  	_ =	task.clear_ibuf [dreg:s7], $0x6FFFF;
	_ =	strace $0x90000046  }
0xb3: {  	s29 =	simm.s32 $0x9;
	_ =	strace $0x80000048  }
0xb4: {  	_ =	swait.ge [sflag:s29], $0x1  }
0xb5: {  	[sflag:s29] =	ssyncadd.s32 $0xFFFFFFFF  }
0xb6: {  	_ =	strace $0x90000048  }
0xb7: {  	_ =	sfence  }
0xb8: {  	s30 =	sld [smem:$0x0];
	_ =	sdelay $0x2  }
0xb9: {  	s31 =	sshll.u32 s1, $0xD;
	s1 =	sshrl.u32 s1, $0x2  }
0xba: {  	s3 =	sand.u32 $0x4000, s31;
	s1 =	sadd.s32 s1, s30  }
0xbb: {  	s0 =	sor.u32 s3, s0;
	s1 =	sshll.u32 s1, $0x11  }
0xbc: {  	s0 =	sor.u32 s1, s0  }
0xbd: {  	s0 =	sadd.s32 $0x8F2B, s0  }
0xbe: {  	[sflag:s0] =	ssyncadd.remote.s32 $0x1  }
0xbf: {  	_ =	sfence.sel $0xFFFF  }
0xc0: {  	[dreg:$0x0] =	wrdreg $0xFFFFFFFF;
	(pc) =	sbr.abs _section_cstart, $3  }
0xc1: {  	[dreg:$0x1] =	wrdreg $0xFFFFFFFF  }
0xc2: {  	_ =	task.clear_ibuf [dreg:s7], $0x2FFFF;
	_ =	strace $0x9FFFFFFF  }
0xc3: {  	(tm) =	ssettm $0x7FFFFFFF  }
tec
execute0_lowered:
.L_overlay_start_1:
0x0: {  	(tag) =	ssettag $0x1  }
0x1: {  	s5 =	rddreg [dreg:$0x0]  }
0x2: {  	s4 =	rddreg [dreg:$0x1]  }
0x3: {  	s2 =	rddreg [dreg:$0x2]  }
0x4: {  	s0 =	rddreg [dreg:$0x3];
	s6 =	srdreg.scid  }
0x5: {  	s1 =	stileid.u32;
	s3 =	simm.s32 $0x0;
	s13 =	simm.s32 $0x20  }
0x6: {  	s14 =	simm.s32 $0x10;
	s15 =	simm.s32 $0x0;
	s7 =	smul.u32 $0x500, s1  }
0x7: {  	s6 =	sand.u32 $0x1, s6;
	[smem:$0x7FF] =	sst s3;
	s9 =	smul.u32 $0xA00, s1  }
0x8: {  	s11 =	sshll.u32 s1, $0x6;
	s8 =	sshll.u32 s6, $0x7;
	s29 =	ssub.s32 $0x2, s6  }
0x9: {  	_ =	strace $0x80000047;
	s31 =	sshll.u32 s6, $0x4;
	s11 =	sor.u32 $0x1C01, s11  }
0xa: {  	s7 =	sor.u32 s8, s7;
	s10 =	sshrl.u32 s29, $0x1;
	s30 =	sshrl.u32 s9, $0x2  }
0xb: {  	s9 =	sadd.s32 s9, s5;
	s7 =	sshrl.u32 s7, $0x3;
	s8 =	ssub.s32 s29, s10  }
0xc: {  	s10 =	simm.s32 $0x80;
	s7 =	sadd.s32 s7, s4;
	s4 =	sadd.s32 s30, s2  }
0xd: {  	s6 =	smax.u32 s8, $0x1;
	s8 =	simm.s32 $0x100;
	s5 =	sadd.s32 $0xC400, s7  }
0xe: {  	v0 =	vimm.f32 $1.000000000e+00;
	v1 =	vimm.f32 $0.0e+00;
	s7 =	sadd.s32 s31, s9;
	s9 =	simm.s32 $0x1;
	s12 =	sshrl.u32 s4, $0x3  }
.LBB2_1:
0xf: {  	[tilespmem:$0x80] =	vst v0  }
0x10: {  	[tilespmem:$0x90] =	vst v0  }
0x11: {  	[tilespmem:$0xA0] =	vst v0  }
0x12: {  	[tilespmem:$0xB0] =	vst v0  }
0x13: {  	[tilespmem:$0xC0] =	vst v0  }
0x14: {  	[tilespmem:$0xD0] =	vst v0  }
0x15: {  	[tilespmem:$0xE0] =	vst v0  }
0x16: {  	[tilespmem:$0xF0] =	vst v0  }
0x17: {  	[tilespmem:$0x100] =	vst v1  }
0x18: {  	[tilespmem:$0x110] =	vst v1  }
0x19: {  	[tilespmem:$0x120] =	vst v1  }
0x1a: {  	[tilespmem:$0x130] =	vst v1  }
0x1b: {  	[tilespmem:$0x140] =	vst v1  }
0x1c: {  	[tilespmem:$0x150] =	vst v1  }
0x1d: {  	[tilespmem:$0x160] =	vst v1  }
0x1e: {  	[tilespmem:$0x170] =	vst v1  }
0x1f: {  	[tilespmem:$0x180] =	vst v1  }
0x20: {  	[tilespmem:$0x190] =	vst v1  }
0x21: {  	[tilespmem:$0x1A0] =	vst v1  }
0x22: {  	[tilespmem:$0x1B0] =	vst v1  }
0x23: {  	[tilespmem:$0x1C0] =	vst v1  }
0x24: {  	[tilespmem:$0x1D0] =	vst v1  }
0x25: {  	[tilespmem:$0x1E0] =	vst v1  }
0x26: {  	[tilespmem:$0x1F0] =	vst v1  }
0x27: {  	[tilespmem:$0x200] =	vst v1  }
0x28: {  	[tilespmem:$0x210] =	vst v1  }
0x29: {  	[tilespmem:$0x220] =	vst v1  }
0x2a: {  	[tilespmem:$0x230] =	vst v1  }
0x2b: {  	[tilespmem:$0x240] =	vst v1  }
0x2c: {  	[tilespmem:$0x250] =	vst v1  }
0x2d: {  	[tilespmem:$0x260] =	vst v1  }
0x2e: {  	[tilespmem:$0x270] =	vst v1  }
0x2f: {  	[tilespmem:$0x280] =	vst v1  }
0x30: {  	[tilespmem:$0x290] =	vst v1  }
0x31: {  	[tilespmem:$0x2A0] =	vst v1  }
0x32: {  	[tilespmem:$0x2B0] =	vst v1  }
0x33: {  	[tilespmem:$0x2C0] =	vst v1  }
0x34: {  	[tilespmem:$0x2D0] =	vst v1  }
0x35: {  	[tilespmem:$0x2E0] =	vst v1  }
0x36: {  	[tilespmem:$0x2F0] =	vst v1  }
0x37: {  	[tilespmem:$0x300] =	vst v1  }
0x38: {  	[tilespmem:$0x310] =	vst v1  }
0x39: {  	[tilespmem:$0x320] =	vst v1  }
0x3a: {  	[tilespmem:$0x330] =	vst v1  }
0x3b: {  	[tilespmem:$0x340] =	vst v1  }
0x3c: {  	[tilespmem:$0x350] =	vst v1  }
0x3d: {  	[tilespmem:$0x360] =	vst v1  }
0x3e: {  	[tilespmem:$0x370] =	vst v1  }
0x3f: {  	[spmem:s4] =	stream.linear.scatter [tilespmem:s8], [sflag:$0x1], $0x280, $0x38;
	[tilespmem:$0x600] =	vst v63  }
0x40: {  	_ =	swait.ge [sflag:s9], $0x280  }
0x41: {  	[sflag:s9] =	ssyncset.done $0x0  }
0x42: {  	[sflag:s9] =	ssyncadd.s32 $0xFFFFFD80  }
0x43: {  	s16 =	sadd.s32 $0x0, s7;
	[bflag:$0x0] =	sbarrier.arrive $0xFFFF  }
0x44: {  	[tilespmem:s3], [sflag:$0x1] =	stream.linear.gather [hbm4b:s16+s3], $0x80, $0x38;
	[tilespmem:$0x600] =	vst v63  }
0x45: {  	_ =	swait.ge [sflag:s9], $0x80  }
0x46: {  	[sflag:s9] =	ssyncset.done $0x0  }
0x47: {  	[sflag:s9] =	ssyncadd.s32 $0xFFFFFF80  }
0x48: {  	[spmem:s2] =	stream.indirect.scatter.add.f32 [tilespmem:s10], [sflag:$0x1], $0x1, s3, s10, $0xb8;
	[tilespmem:$0x600] =	vst v63  }
0x49: {  	_ =	swait.ge [sflag:s9], $0x80  }
0x4a: {  	s17 =	simm.s32 $0x40;
	s16 =	simm.s32 $0x20;
	[sflag:s9] =	ssyncset.done $0x0  }
.LBB2_2:
0x4b: {  	s18 =	sadd.s32 s16, s7  }
0x4c: {  	[sflag:s9] =	ssyncadd.s32 $0xFFFFFF80;
	s16 =	smov.u32 s17;
	s19 =	sadd.s32 $0x20, s17  }
0x4d: {  	[tilespmem:s3], [sflag:$0x1] =	stream.linear.gather [hbm4b:s18+s3], $0x80, $0x38;
	[tilespmem:$0x600] =	vst v63  }
0x4e: {  	p0 =	sne.s32 s17, $0x9E0;
	_ =	swait.ge [sflag:s9], $0x80  }
.Ltmp0:
0x4f: {  	[sflag:s9] =	ssyncset.done $0x0;
	(pc) =	sbr.rel @p0 .LBB2_2-.Ltmp0, $4  }
0x50: {  	[sflag:s9] =	ssyncadd.s32 $0xFFFFFF80  }
0x51: {  	[spmem:s2] =	stream.indirect.scatter.add.f32 [tilespmem:s10], [sflag:$0x1], $0x1, s3, s10, $0xb8;
	[tilespmem:$0x600] =	vst v63  }
0x52: {  	_ =	swait.ge [sflag:s9], $0x80  }
0x53: {  	s17 =	smov.u32 s19;
	[sflag:s9] =	ssyncset.done $0x0  }
0x54: {  	s16 =	sadd.s32 s16, s7;
	[sflag:s9] =	ssyncadd.s32 $0xFFFFFF80  }
0x55: {  	[tilespmem:s3], [sflag:$0x1] =	stream.linear.gather [hbm4b:s16+s3], $0x80, $0x38;
	[tilespmem:$0x600] =	vst v63  }
0x56: {  	_ =	swait.ge [sflag:s9], $0x80  }
0x57: {  	[sflag:s9] =	ssyncset.done $0x0  }
0x58: {  	[sflag:s9] =	ssyncadd.s32 $0xFFFFFF80  }
0x59: {  	[spmem:s2] =	stream.indirect.scatter.add.f32 [tilespmem:s10], [sflag:$0x1], $0x1, s3, s10, $0xb8;
	[tilespmem:$0x600] =	vst v63  }
0x5a: {  	_ =	swait.ge [sflag:s9], $0x80  }
0x5b: {  	s15 =	sadd.s32 $0x1, s15;
	[sflag:s9] =	ssyncset.done $0x0  }
0x5c: {  	p0 =	sne.s32 s15, s6;
	[sflag:s9] =	ssyncadd.s32 $0xFFFFFF80  }
.Ltmp1:
0x5d: {  	[bflag:$0x0] =	sbarrier.arrive $0xFFFF;
	(pc) =	sbr.rel @p0 .LBB2_1-.Ltmp1, $4  }
0x5e: {  	[hbm:s5@s13], [sflag:s11] =	dma.strided [spmem:s12@s14], $0x50, s9, $0x10   }
0x5f: {  	_ =	swait.ge [sflag:s9], $0x50  }
0x60: {  	[sflag:s9] =	ssyncset.done $0x0  }
0x61: {  	[sflag:s9] =	ssyncadd.s32 $0xFFFFFFB0  }
0x62: {  	_ =	sfence.sel $0x180000  }
0x63: {  	[bflag:$0x0] =	sbarrier.arrive $0xFFFF  }
0x64: {  	p0 =	sne.s32 s1, $0x0;
	_ =	strace $0x90000047  }
0x65: {  	s0 =	sadd.s32 @!p0 $0x100000, s0;
	[bflag:$0x2] =	sbarrier.arrive $0xFFFF  }
0x66: {  	[sflag:s0] =	ssyncadd.tile.s32 @!p0 $0x1;
	_ =	shalt  }
.Lfunc_end2:
_tile_overlayer_lowered:
.L_overlay_start_2:
0x67: {  	(tag) =	ssettag $0x2  }
0x68: {  	s0 =	rddreg [dreg:$0x0];
	s2 =	stileid.u32  }
0x69: {  	s1 =	rddreg [dreg:$0x1];
	p0 =	sne.s32 s2, $0x0  }
0x6a: {  	s3 =	rddreg [dreg:$0x2];
	[bflag:$0x3] =	sbarrier.arrive $0xFFFF;
	s2 =	simm.s32 @!p0 $0x1C01  }
0x6b: {  	[timem:s3], [sflag:s2] =	dma.local @!p0 [hbm:s0], s1  }
0x6c: {  	s0 =	simm.s32 @!p0 $0x1  }
0x6d: {  	_ =	swait.ge @!p0 [sflag:s0], s1  }
0x6e: {  	s1 =	ssub.s32 @!p0 $0x0, s1;
	[sflag:s0] =	ssyncset.done @!p0 $0x0  }
0x6f: {  	[sflag:s0] =	ssyncadd.s32 @!p0 s1  }
0x70: {  	[bflag:$0x3] =	sbarrier.arrive $0xFFFF  }
0x71: {  	_ =	shalt  }

</sc_bundles>
